<compile_context>
chip_gen: v7x
topology: tpu7x:2x2x1
jax: 0.10.2.dev20260603
libtpu: 0.0.44.dev20260713+nightly
codegen_flags: <defaults>
</compile_context>

<pallas_src>
import jax
import jax.numpy as jnp
from jax import lax
from jax.experimental import pallas as pl
from jax.experimental.pallas import tpu as pltpu
from jax.experimental.pallas import tpu_sc as plsc

_N = 100000
_G = 16
_E = 3200000

_NC = 2
_NS = 16
_NW = _NC * _NS
_B = 1280
_NBW = 78
_NP = _NBW // 2
_EPW = _NBW * _B


def _sc_body(ei_hbm, ybf_hbm, out_hbm,
             idx0, idx1,
             rows_s0, rows_d0, rows_s1, rows_d1,
             acc_v, y_sp, sem_g0, sem_g1, sem_i0, sem_i1):
    c = lax.axis_index("c")
    s = lax.axis_index("s")
    wid = s * _NC + c
    base = wid * _EPW

    slots = ((idx0, rows_s0, rows_d0, sem_g0, sem_i0),
             (idx1, rows_s1, rows_d1, sem_g1, sem_i1))

    def idx_start(off, slot):
        ix, _, _, _, sem_i = slots[slot]
        pltpu.async_copy(ei_hbm.at[:, pl.ds(off, _B)], ix, sem_i)

    def idx_wait(slot):
        ix, _, _, _, sem_i = slots[slot]
        pltpu.make_async_copy(ei_hbm.at[:, pl.ds(0, _B)], ix, sem_i).wait()

    def gather_start(slot):
        ix, r_s, r_d, sem_g, _ = slots[slot]
        pltpu.async_copy(y_sp.at[ix.at[0]], r_s, sem_g)
        pltpu.async_copy(y_sp.at[ix.at[1]], r_d, sem_g)

    def gather_wait(slot):
        ix, r_s, r_d, sem_g, _ = slots[slot]
        pltpu.make_async_copy(y_sp.at[ix.at[0]], r_s, sem_g).wait()
        pltpu.make_async_copy(y_sp.at[ix.at[1]], r_d, sem_g).wait()

    def compute(slot, acc):
        _, r_s, r_d, _, _ = slots[slot]
        lanes = lax.iota(jnp.int32, _G)
        rpat = jnp.where(lanes < 8, 0, 1)
        cpat = jnp.where(lanes < 8, lanes, lanes - 8)
        hmask = jnp.int32(-65536)
        u = 4

        def step(i, accs):
            p0 = i * u
            new = list(accs)
            for k in range(u):
                rowv = rpat + 2 * (p0 + k)
                sw = plsc.load_gather(r_s, [rowv, cpat])
                dw = plsc.load_gather(r_d, [rowv, cpat])
                s_lo = plsc.bitcast(lax.shift_left(sw, 16), jnp.float32)
                s_hi = plsc.bitcast(lax.bitwise_and(sw, hmask), jnp.float32)
                d_lo = plsc.bitcast(lax.shift_left(dw, 16), jnp.float32)
                d_hi = plsc.bitcast(lax.bitwise_and(dw, hmask), jnp.float32)
                new[2 * k] = new[2 * k] + s_lo * (1.0 - d_lo)
                new[2 * k + 1] = new[2 * k + 1] + s_hi * (1.0 - d_hi)
            return tuple(new)

        accs = lax.fori_loop(
            0, _B // (2 * u), step,
            tuple(jnp.zeros((_G,), jnp.float32) for _ in range(2 * u)))
        blk = accs[0]
        for a in accs[1:]:
            blk = blk + a
        return acc + blk

    idx_start(base, 0)
    idx_start(base + _B, 1)
    rpt = _N // _NS
    roff = s * rpt
    pltpu.sync_copy(ybf_hbm.at[pl.ds(roff, rpt)], y_sp.at[pl.ds(roff, rpt)])
    plsc.subcore_barrier()

    idx_wait(0)
    gather_start(0)

    def pair(p, acc):
        b0 = 2 * p
        idx_wait(1)
        gather_start(1)
        gather_wait(0)

        @pl.when(p < _NP - 1)
        def _():
            idx_start(base + (b0 + 2) * _B, 0)

        acc = compute(0, acc)
        gather_wait(1)

        @pl.when(p < _NP - 1)
        def _():
            idx_wait(0)
            gather_start(0)
            idx_start(base + (b0 + 3) * _B, 1)

        acc = compute(1, acc)
        return acc

    acc = lax.fori_loop(0, _NP, pair, jnp.zeros((_G,), jnp.float32))
    acc_v[...] = acc

    @pl.when(wid < 4)
    def _():
        idx_start(_NW * _EPW + wid * _B, 0)
        idx_wait(0)
        gather_start(0)
        gather_wait(0)
        acc_v[...] = acc_v[...] + compute(0, jnp.zeros((_G,), jnp.float32))

    pltpu.sync_copy(acc_v, out_hbm.at[wid])


_sc_loss1 = pl.kernel(
    _sc_body,
    out_type=jax.ShapeDtypeStruct((_NW, _G), jnp.float32),
    mesh=plsc.VectorSubcoreMesh(core_axis_name="c", subcore_axis_name="s",
                                num_cores=_NC, num_subcores=_NS),
    scratch_types=[
        pltpu.VMEM((2, _B), jnp.int32),
        pltpu.VMEM((2, _B), jnp.int32),
        pltpu.VMEM((_B, 8), jnp.int32),
        pltpu.VMEM((_B, 8), jnp.int32),
        pltpu.VMEM((_B, 8), jnp.int32),
        pltpu.VMEM((_B, 8), jnp.int32),
        pltpu.VMEM((_G,), jnp.float32),
        pltpu.VMEM_SHARED((_N, 8), jnp.int32),
        pltpu.SemaphoreType.DMA,
        pltpu.SemaphoreType.DMA,
        pltpu.SemaphoreType.DMA,
        pltpu.SemaphoreType.DMA,
    ],
    compiler_params=pltpu.CompilerParams(use_tc_tiling_on_sc=False,
                                         needs_layout_passes=False),
)


_CB = 2048
_PT = -(-_N // _CB)


def _prep_body(yt_ref, ybf_ref, l2_ref, cacc_ref):
    i = pl.program_id(0)
    t = yt_ref[...].T

    @pl.when(i == 0)
    def _():
        cacc_ref[...] = jnp.zeros_like(cacc_ref)

    rid = lax.broadcasted_iota(jnp.int32, (_CB, 1), 0) + i * _CB
    t = jnp.where(rid < _N, t, 0.0)
    r = lax.broadcasted_iota(jnp.int32, (_G, 8), 0)
    q = lax.broadcasted_iota(jnp.int32, (_G, 8), 1)
    se = (r == 2 * q).astype(jnp.float32)
    so = (r == 2 * q + 1).astype(jnp.float32)
    be = lax.bitcast_convert_type(
        jnp.dot(t, se, preferred_element_type=jnp.float32), jnp.int32)
    bo = lax.bitcast_convert_type(
        jnp.dot(t, so, preferred_element_type=jnp.float32), jnp.int32)
    ybf_ref[...] = lax.bitwise_or(
        lax.shift_right_logical(be + 32768, 16),
        lax.bitwise_and(bo + 32768, jnp.int32(-65536)))
    cacc_ref[...] += jnp.sum(t, axis=0, keepdims=True)

    @pl.when(i == _PT - 1)
    def _():
        d = cacc_ref[...] - (jnp.float32(_N) / jnp.float32(_G))
        l2_ref[0, 0] = jnp.sum(d * d)


_tc_prep = pl.pallas_call(
    _prep_body,
    grid=(_PT,),
    in_specs=[pl.BlockSpec((_G, _CB), lambda i: (0, i))],
    out_specs=[
        pl.BlockSpec((_CB, 8), lambda i: (i, 0)),
        pl.BlockSpec(memory_space=pltpu.SMEM),
    ],
    out_shape=[
        jax.ShapeDtypeStruct((_N, 8), jnp.int32),
        jax.ShapeDtypeStruct((1, 1), jnp.float32),
    ],
    scratch_shapes=[
        pltpu.VMEM((1, _G), jnp.float32),
    ],
)


_KT = 100
_EVR, _EVC = 800, 4000


def _gamma_body(ev_ref, gam_ref, gacc_ref):
    i = pl.program_id(0)

    @pl.when(i == 0)
    def _():
        gacc_ref[0] = 0.0

    gacc_ref[0] += jnp.sum(ev_ref[...])

    @pl.when(i == _KT - 1)
    def _():
        gam_ref[0, 0] = gacc_ref[0]


_tc_gamma = pl.pallas_call(
    _gamma_body,
    grid=(_KT,),
    in_specs=[pl.BlockSpec((_EVR // _KT, _EVC), lambda i: (i, 0))],
    out_specs=[pl.BlockSpec(memory_space=pltpu.SMEM)],
    out_shape=[jax.ShapeDtypeStruct((1, 1), jnp.float32)],
    scratch_shapes=[pltpu.SMEM((1,), jnp.float32)],
)


def kernel(Y, edge_index, edge_values):
    ypk, l2 = _tc_prep(Y.T)
    partials = _sc_loss1(edge_index, ypk)
    gamma, = _tc_gamma(edge_values.reshape(_EVR, _EVC))
    loss_1 = (jnp.sum(partials) / gamma[0, 0]).reshape(1)
    loss_2 = l2.reshape(1)
    loss = loss_1 + loss_2
    return (loss, loss_1, loss_2, Y)

# --- scband reference (transcript-rebuilt; emitter-appended) ---
"""Pipeline reference for scband-cut-balance-loss-28578712388223 (READ-ONLY COPY).

The authoritative reference and input builder live on the scoring server;
editing this copy changes nothing except your own understanding.
"""

import jax, jax.numpy as jnp
import numpy as np

N = 100000
G = 16
E = 3200000


def setup_inputs(seed: int = 0) -> dict:
    key = jax.random.key(seed)
    k1, k2, k3 = jax.random.split(key, 3)
    Y = jax.random.uniform(k1, (N, G), dtype=jnp.float32)
    edge_index = jax.random.randint(k2, (2, E), 0, N, dtype=jnp.int32)
    edge_values = jax.random.uniform(k3, (E,), dtype=jnp.float32)
    return {"Y": Y, "edge_index": edge_index, "edge_values": edge_values}


def reference(Y, edge_index, edge_values):
    # Gamma = torch.sparse.sum(A) -> sum of the sparse values
    Gamma = jnp.sum(edge_values)
    YbyGamma = Y / Gamma
    one_minus_Y = 1.0 - Y
    src = edge_index[0]
    dst = edge_index[1]
    # loss_1 = sum over edges (i,j) of dot(YbyGamma[i,:], (1-Y)[j,:])
    # (the torch loop ignores edge values in the dot product; values only enter via Gamma)
    gathered_src = jnp.take(YbyGamma, src, axis=0)
    gathered_dst = jnp.take(one_minus_Y, dst, axis=0)
    loss_1 = jnp.reshape(jnp.sum(gathered_src * gathered_dst), (1,))
    # loss_2 = sum_j (sum_i Y[i,j] - N/g)^2
    e = jnp.float32(N) / jnp.float32(G)
    col_sums = jnp.sum(Y, axis=0)
    loss_2 = jnp.reshape(jnp.sum(jnp.square(col_sums - e)), (1,))
    loss = loss_1 + loss_2
    return (loss, loss_1, loss_2, Y)

if __name__ == "__main__":
    import jax
    _d = setup_inputs()
    print(jax.jit(kernel)(*tuple(_d.values())))

</pallas_src>

<mosaic_0001>
#map = affine_map<(d0, d1) -> (0, 0)>
module attributes {stable_mosaic.version = 14 : i64} {
  func.func @_sc_body(%arg0: i32, %arg1: i32, %arg2: memref<2x3200000xi32, #tpu.memory_space<hbm>>, %arg3: memref<100000x8xi32, #tpu.memory_space<hbm>>, %arg4: memref<32x16xf32, #tpu.memory_space<hbm>>, %arg5: memref<2x1280xi32, #tpu.memory_space<vmem>>, %arg6: memref<2x1280xi32, #tpu.memory_space<vmem>>, %arg7: memref<1280x8xi32, #tpu.memory_space<vmem>>, %arg8: memref<1280x8xi32, #tpu.memory_space<vmem>>, %arg9: memref<1280x8xi32, #tpu.memory_space<vmem>>, %arg10: memref<1280x8xi32, #tpu.memory_space<vmem>>, %arg11: memref<16xf32, #tpu.memory_space<vmem>>, %arg12: memref<100000x8xi32, #tpu.memory_space<vmem_shared>>, %arg13: memref<!tpu.dma_semaphore, #tpu.memory_space<semaphore_mem>>, %arg14: memref<!tpu.dma_semaphore, #tpu.memory_space<semaphore_mem>>, %arg15: memref<!tpu.dma_semaphore, #tpu.memory_space<semaphore_mem>>, %arg16: memref<!tpu.dma_semaphore, #tpu.memory_space<semaphore_mem>>) attributes {dimension_semantics = [#tpu.dimension_semantics<core_parallel>, #tpu.dimension_semantics<subcore_parallel>], iteration_bounds = array<i64: 2, 16>, scalar_prefetch = 0 : i64, scratch_operands = 12 : i64, tpu.core_type = #tpu.core_type<sc_vector_subcore>, window_params = [{transform_indices = #map}, {transform_indices = #map}, {transform_indices = #map}]} {
    %mul3A = arith.constant 2 : i32
    %mul3A_0 = arith.muli %arg1, %mul3A : i32
    %add3A = arith.addi %mul3A_0, %arg0 : i32
    %mul3A_1 = arith.constant 99840 : i32
    %mul3A_2 = arith.muli %add3A, %mul3A_1 : i32
    %dma_start3A = arith.constant 0 : i32
    %dma_start3A_3 = tpu.memref_slice %arg2[%dma_start3A, %mul3A_2] : memref<2x3200000xi32, #tpu.memory_space<hbm>> -> memref<2x1280xi32, #tpu.memory_space<hbm>>
    %dma_start3A_4 = arith.constant 0 : i32
    %dma_start3A_5 = tpu.memref_slice %arg2[%dma_start3A_4, %mul3A_2] : memref<2x3200000xi32, #tpu.memory_space<hbm>> -> memref<2x1280xi32, #tpu.memory_space<hbm>>
    tpu.enqueue_dma source(%dma_start3A_5 : memref<2x1280xi32, #tpu.memory_space<hbm>>) target(%arg5 : memref<2x1280xi32, #tpu.memory_space<vmem>>) target_semaphore(%arg15 : memref<!tpu.dma_semaphore, #tpu.memory_space<semaphore_mem>>)
    %add3A_6 = arith.constant 1280 : i32
    %add3A_7 = arith.addi %mul3A_2, %add3A_6 : i32
    %dma_start3A_8 = arith.constant 0 : i32
    %dma_start3A_9 = tpu.memref_slice %arg2[%dma_start3A_8, %add3A_7] : memref<2x3200000xi32, #tpu.memory_space<hbm>> -> memref<2x1280xi32, #tpu.memory_space<hbm>>
    %dma_start3A_10 = arith.constant 0 : i32
    %dma_start3A_11 = tpu.memref_slice %arg2[%dma_start3A_10, %add3A_7] : memref<2x3200000xi32, #tpu.memory_space<hbm>> -> memref<2x1280xi32, #tpu.memory_space<hbm>>
    tpu.enqueue_dma source(%dma_start3A_11 : memref<2x1280xi32, #tpu.memory_space<hbm>>) target(%arg6 : memref<2x1280xi32, #tpu.memory_space<vmem>>) target_semaphore(%arg16 : memref<!tpu.dma_semaphore, #tpu.memory_space<semaphore_mem>>)
    %mul3A_12 = arith.constant 6250 : i32
    %mul3A_13 = arith.muli %arg1, %mul3A_12 : i32
    "tpu.region"() ({
      %run_scoped3A = tpu.sem_alloc : memref<!tpu.dma_semaphore, #tpu.memory_space<semaphore_mem>>
      %dma_start3A_42 = arith.constant 0 : i32
      %dma_start3A_43 = tpu.memref_slice %arg12[%mul3A_13, %dma_start3A_42] : memref<100000x8xi32, #tpu.memory_space<vmem_shared>> -> memref<6250x8xi32, #tpu.memory_space<vmem_shared>>
      %dma_start3A_44 = arith.constant 0 : i32
      %dma_start3A_45 = tpu.memref_slice %arg3[%mul3A_13, %dma_start3A_44] : memref<100000x8xi32, #tpu.memory_space<hbm>> -> memref<6250x8xi32, #tpu.memory_space<hbm>>
      tpu.enqueue_dma source(%dma_start3A_45 : memref<6250x8xi32, #tpu.memory_space<hbm>>) target(%dma_start3A_43 : memref<6250x8xi32, #tpu.memory_space<vmem_shared>>) target_semaphore(%run_scoped3A : memref<!tpu.dma_semaphore, #tpu.memory_space<semaphore_mem>>)
      %dma_wait3A_46 = arith.constant 0 : i32
      %dma_wait3A_47 = tpu.memref_slice %arg12[%mul3A_13, %dma_wait3A_46] : memref<100000x8xi32, #tpu.memory_space<vmem_shared>> -> memref<6250x8xi32, #tpu.memory_space<vmem_shared>>
      %dma_wait3A_48 = arith.constant 0 : i32
      %dma_wait3A_49 = tpu.memref_slice %arg3[%mul3A_13, %dma_wait3A_48] : memref<100000x8xi32, #tpu.memory_space<hbm>> -> memref<6250x8xi32, #tpu.memory_space<hbm>>
      tpu.wait_dma2 semaphore(%run_scoped3A : memref<!tpu.dma_semaphore, #tpu.memory_space<semaphore_mem>>) src(%dma_wait3A_49 : memref<6250x8xi32, #tpu.memory_space<hbm>>) dst(%dma_wait3A_47 : memref<6250x8xi32, #tpu.memory_space<vmem_shared>>)
      tpu.yield
    }) : () -> ()
    %barrier3A = arith.constant 0 : index
    tpu.barrier barrier_id(%barrier3A)
    %dma_wait3A = arith.constant 0 : i32
    %dma_wait3A_14 = arith.constant 0 : i32
    %dma_wait3A_15 = tpu.memref_slice %arg2[%dma_wait3A, %dma_wait3A_14] : memref<2x3200000xi32, #tpu.memory_space<hbm>> -> memref<2x1280xi32, #tpu.memory_space<hbm>>
    %dma_wait3A_16 = arith.constant 0 : i32
    %dma_wait3A_17 = arith.constant 0 : i32
    %dma_wait3A_18 = tpu.memref_slice %arg2[%dma_wait3A_16, %dma_wait3A_17] : memref<2x3200000xi32, #tpu.memory_space<hbm>> -> memref<2x1280xi32, #tpu.memory_space<hbm>>
    tpu.wait_dma2 semaphore(%arg15 : memref<!tpu.dma_semaphore, #tpu.memory_space<semaphore_mem>>) src(%dma_wait3A_18 : memref<2x1280xi32, #tpu.memory_space<hbm>>) dst(%arg5 : memref<2x1280xi32, #tpu.memory_space<vmem>>)
    %dma_start3A_19 = arith.constant 0 : i32
    %dma_start3A_20 = arith.constant 0 : i32
    %dma_start3A_21 = tpu.memref_slice %arg5[%dma_start3A_19, %dma_start3A_20] : memref<2x1280xi32, #tpu.memory_space<vmem>> -> memref<1x1280xi32, #tpu.memory_space<vmem>>
    %dma_start3A_22 = tpu.memref_squeeze %dma_start3A_21 : memref<1x1280xi32, #tpu.memory_space<vmem>> -> memref<1280xi32, #tpu.memory_space<vmem>>
    %dma_start3A_23 = arith.constant 0 : i32
    %dma_start3A_24 = arith.constant 0 : i32
    %dma_start3A_25 = tpu.memref_slice %arg12[%dma_start3A_23, %dma_start3A_24] : memref<100000x8xi32, #tpu.memory_space<vmem_shared>> -> memref<100000x8xi32, #tpu.memory_space<vmem_shared>>
    tpu.enqueue_indirect_dma source(%dma_start3A_25 : memref<100000x8xi32, #tpu.memory_space<vmem_shared>>) target(%arg7 : memref<1280x8xi32, #tpu.memory_space<vmem>>) offsets(%dma_start3A_22 : memref<1280xi32, #tpu.memory_space<vmem>>) semaphore(%arg13 : memref<!tpu.dma_semaphore, #tpu.memory_space<semaphore_mem>>)
    %dma_start3A_26 = arith.constant 1 : i32
    %dma_start3A_27 = arith.constant 0 : i32
    %dma_start3A_28 = tpu.memref_slice %arg5[%dma_start3A_26, %dma_start3A_27] : memref<2x1280xi32, #tpu.memory_space<vmem>> -> memref<1x1280xi32, #tpu.memory_space<vmem>>
    %dma_start3A_29 = tpu.memref_squeeze %dma_start3A_28 : memref<1x1280xi32, #tpu.memory_space<vmem>> -> memref<1280xi32, #tpu.memory_space<vmem>>
    %dma_start3A_30 = arith.constant 0 : i32
    %dma_start3A_31 = arith.constant 0 : i32
    %dma_start3A_32 = tpu.memref_slice %arg12[%dma_start3A_30, %dma_start3A_31] : memref<100000x8xi32, #tpu.memory_space<vmem_shared>> -> memref<100000x8xi32, #tpu.memory_space<vmem_shared>>
    tpu.enqueue_indirect_dma source(%dma_start3A_32 : memref<100000x8xi32, #tpu.memory_space<vmem_shared>>) target(%arg8 : memref<1280x8xi32, #tpu.memory_space<vmem>>) offsets(%dma_start3A_29 : memref<1280xi32, #tpu.memory_space<vmem>>) semaphore(%arg13 : memref<!tpu.dma_semaphore, #tpu.memory_space<semaphore_mem>>)
    %broadcast_in_dim3A = arith.constant 0.000000e+00 : f32
    %broadcast_in_dim3A_33 = vector.broadcast %broadcast_in_dim3A : f32 to vector<16xf32>
    %scan3A = arith.constant 0 : i32
    %scan3A_34 = arith.constant 39 : i32
    %scan3A_35 = arith.addi %scan3A, %scan3A_34 : i32
    %scan3A_36 = arith.constant 1 : i32
    %scan3A_37 = scf.for %scan3A_42 = %scan3A to %scan3A_35 step %scan3A_36 iter_args(%scan3A_43 = %broadcast_in_dim3A_33) -> (vector<16xf32>)  : i32 {
      %mul3A_44 = arith.constant 2 : i32
      %mul3A_45 = arith.muli %mul3A_44, %scan3A_42 : i32
      %dma_wait3A_46 = arith.constant 0 : i32
      %dma_wait3A_47 = arith.constant 0 : i32
      %dma_wait3A_48 = tpu.memref_slice %arg2[%dma_wait3A_46, %dma_wait3A_47] : memref<2x3200000xi32, #tpu.memory_space<hbm>> -> memref<2x1280xi32, #tpu.memory_space<hbm>>
      %dma_wait3A_49 = arith.constant 0 : i32
      %dma_wait3A_50 = arith.constant 0 : i32
      %dma_wait3A_51 = tpu.memref_slice %arg2[%dma_wait3A_49, %dma_wait3A_50] : memref<2x3200000xi32, #tpu.memory_space<hbm>> -> memref<2x1280xi32, #tpu.memory_space<hbm>>
      tpu.wait_dma2 semaphore(%arg16 : memref<!tpu.dma_semaphore, #tpu.memory_space<semaphore_mem>>) src(%dma_wait3A_51 : memref<2x1280xi32, #tpu.memory_space<hbm>>) dst(%arg6 : memref<2x1280xi32, #tpu.memory_space<vmem>>)
      %dma_start3A_52 = arith.constant 0 : i32
      %dma_start3A_53 = arith.constant 0 : i32
      %dma_start3A_54 = tpu.memref_slice %arg6[%dma_start3A_52, %dma_start3A_53] : memref<2x1280xi32, #tpu.memory_space<vmem>> -> memref<1x1280xi32, #tpu.memory_space<vmem>>
      %dma_start3A_55 = tpu.memref_squeeze %dma_start3A_54 : memref<1x1280xi32, #tpu.memory_space<vmem>> -> memref<1280xi32, #tpu.memory_space<vmem>>
      %dma_start3A_56 = arith.constant 0 : i32
      %dma_start3A_57 = arith.constant 0 : i32
      %dma_start3A_58 = tpu.memref_slice %arg12[%dma_start3A_56, %dma_start3A_57] : memref<100000x8xi32, #tpu.memory_space<vmem_shared>> -> memref<100000x8xi32, #tpu.memory_space<vmem_shared>>
      tpu.enqueue_indirect_dma source(%dma_start3A_58 : memref<100000x8xi32, #tpu.memory_space<vmem_shared>>) target(%arg9 : memref<1280x8xi32, #tpu.memory_space<vmem>>) offsets(%dma_start3A_55 : memref<1280xi32, #tpu.memory_space<vmem>>) semaphore(%arg14 : memref<!tpu.dma_semaphore, #tpu.memory_space<semaphore_mem>>)
      %dma_start3A_59 = arith.constant 1 : i32
      %dma_start3A_60 = arith.constant 0 : i32
      %dma_start3A_61 = tpu.memref_slice %arg6[%dma_start3A_59, %dma_start3A_60] : memref<2x1280xi32, #tpu.memory_space<vmem>> -> memref<1x1280xi32, #tpu.memory_space<vmem>>
      %dma_start3A_62 = tpu.memref_squeeze %dma_start3A_61 : memref<1x1280xi32, #tpu.memory_space<vmem>> -> memref<1280xi32, #tpu.memory_space<vmem>>
      %dma_start3A_63 = arith.constant 0 : i32
      %dma_start3A_64 = arith.constant 0 : i32
      %dma_start3A_65 = tpu.memref_slice %arg12[%dma_start3A_63, %dma_start3A_64] : memref<100000x8xi32, #tpu.memory_space<vmem_shared>> -> memref<100000x8xi32, #tpu.memory_space<vmem_shared>>
      tpu.enqueue_indirect_dma source(%dma_start3A_65 : memref<100000x8xi32, #tpu.memory_space<vmem_shared>>) target(%arg10 : memref<1280x8xi32, #tpu.memory_space<vmem>>) offsets(%dma_start3A_62 : memref<1280xi32, #tpu.memory_space<vmem>>) semaphore(%arg14 : memref<!tpu.dma_semaphore, #tpu.memory_space<semaphore_mem>>)
      %dma_wait3A_66 = arith.constant 0 : i32
      %dma_wait3A_67 = arith.constant 0 : i32
      %dma_wait3A_68 = tpu.memref_slice %arg5[%dma_wait3A_66, %dma_wait3A_67] : memref<2x1280xi32, #tpu.memory_space<vmem>> -> memref<1x1280xi32, #tpu.memory_space<vmem>>
      %dma_wait3A_69 = tpu.memref_squeeze %dma_wait3A_68 : memref<1x1280xi32, #tpu.memory_space<vmem>> -> memref<1280xi32, #tpu.memory_space<vmem>>
      %dma_wait3A_70 = arith.constant 0 : i32
      %dma_wait3A_71 = arith.constant 0 : i32
      %dma_wait3A_72 = tpu.memref_slice %arg12[%dma_wait3A_70, %dma_wait3A_71] : memref<100000x8xi32, #tpu.memory_space<vmem_shared>> -> memref<100000x8xi32, #tpu.memory_space<vmem_shared>>
      tpu.wait_indirect_dma semaphore(%arg13 : memref<!tpu.dma_semaphore, #tpu.memory_space<semaphore_mem>>) src(%dma_wait3A_72 : memref<100000x8xi32, #tpu.memory_space<vmem_shared>>) dst(%arg7 : memref<1280x8xi32, #tpu.memory_space<vmem>>)
      %dma_wait3A_73 = arith.constant 1 : i32
      %dma_wait3A_74 = arith.constant 0 : i32
      %dma_wait3A_75 = tpu.memref_slice %arg5[%dma_wait3A_73, %dma_wait3A_74] : memref<2x1280xi32, #tpu.memory_space<vmem>> -> memref<1x1280xi32, #tpu.memory_space<vmem>>
      %dma_wait3A_76 = tpu.memref_squeeze %dma_wait3A_75 : memref<1x1280xi32, #tpu.memory_space<vmem>> -> memref<1280xi32, #tpu.memory_space<vmem>>
      %dma_wait3A_77 = arith.constant 0 : i32
      %dma_wait3A_78 = arith.constant 0 : i32
      %dma_wait3A_79 = tpu.memref_slice %arg12[%dma_wait3A_77, %dma_wait3A_78] : memref<100000x8xi32, #tpu.memory_space<vmem_shared>> -> memref<100000x8xi32, #tpu.memory_space<vmem_shared>>
      tpu.wait_indirect_dma semaphore(%arg13 : memref<!tpu.dma_semaphore, #tpu.memory_space<semaphore_mem>>) src(%dma_wait3A_79 : memref<100000x8xi32, #tpu.memory_space<vmem_shared>>) dst(%arg8 : memref<1280x8xi32, #tpu.memory_space<vmem>>)
      %lt3A_80 = arith.constant 38 : i32
      %lt3A_81 = arith.cmpi slt, %scan3A_42, %lt3A_80 : i32
      %convert_element_type3A_82 = arith.extui %lt3A_81 : i1 to i32
      %cond3A_83 = arith.constant 0 : i32
      %cond3A_84 = arith.cmpi ne, %convert_element_type3A_82, %cond3A_83 : i32
      scf.if %cond3A_84 {
        %add3A_194 = arith.constant 2 : i32
        %add3A_195 = arith.addi %mul3A_45, %add3A_194 : i32
        %mul3A_196 = arith.constant 1280 : i32
        %mul3A_197 = arith.muli %add3A_195, %mul3A_196 : i32
        %add3A_198 = arith.addi %mul3A_2, %mul3A_197 : i32
        %dma_start3A_199 = arith.constant 0 : i32
        %dma_start3A_200 = tpu.memref_slice %arg2[%dma_start3A_199, %add3A_198] : memref<2x3200000xi32, #tpu.memory_space<hbm>> -> memref<2x1280xi32, #tpu.memory_space<hbm>>
        %dma_start3A_201 = arith.constant 0 : i32
        %dma_start3A_202 = tpu.memref_slice %arg2[%dma_start3A_201, %add3A_198] : memref<2x3200000xi32, #tpu.memory_space<hbm>> -> memref<2x1280xi32, #tpu.memory_space<hbm>>
        tpu.enqueue_dma source(%dma_start3A_202 : memref<2x1280xi32, #tpu.memory_space<hbm>>) target(%arg5 : memref<2x1280xi32, #tpu.memory_space<vmem>>) target_semaphore(%arg15 : memref<!tpu.dma_semaphore, #tpu.memory_space<semaphore_mem>>)
      } else {
      }
      %iota3A = tpu.iota {dimensions = array<i32: 0>} : vector<16xi32>
      %lt3A_85 = arith.constant 8 : i32
      %lt3A_86 = vector.broadcast %lt3A_85 : i32 to vector<16xi32>
      %lt3A_87 = arith.cmpi slt, %iota3A, %lt3A_86 : vector<16xi32>
      %jit3A = arith.constant 0 : i32
      %jit3A_88 = arith.constant 1 : i32
      %broadcast_in_dim3A_89 = vector.broadcast %jit3A : i32 to vector<16xi32>
      %broadcast_in_dim3A_90 = vector.broadcast %jit3A_88 : i32 to vector<16xi32>
      %select_n3A = arith.select %lt3A_87, %broadcast_in_dim3A_89, %broadcast_in_dim3A_90 : vector<16xi1>, vector<16xi32>
      %lt3A_91 = arith.constant 8 : i32
      %lt3A_92 = vector.broadcast %lt3A_91 : i32 to vector<16xi32>
      %lt3A_93 = arith.cmpi slt, %iota3A, %lt3A_92 : vector<16xi32>
      %sub3A = arith.constant 8 : i32
      %sub3A_94 = vector.broadcast %sub3A : i32 to vector<16xi32>
      %sub3A_95 = arith.subi %iota3A, %sub3A_94 : vector<16xi32>
      %select_n3A_96 = arith.select %lt3A_93, %iota3A, %sub3A_95 : vector<16xi1>, vector<16xi32>
      %broadcast_in_dim3A_97 = arith.constant 0.000000e+00 : f32
      %broadcast_in_dim3A_98 = vector.broadcast %broadcast_in_dim3A_97 : f32 to vector<16xf32>
      %broadcast_in_dim3A_99 = arith.constant 0.000000e+00 : f32
      %broadcast_in_dim3A_100 = vector.broadcast %broadcast_in_dim3A_99 : f32 to vector<16xf32>
      %broadcast_in_dim3A_101 = arith.constant 0.000000e+00 : f32
      %broadcast_in_dim3A_102 = vector.broadcast %broadcast_in_dim3A_101 : f32 to vector<16xf32>
      %broadcast_in_dim3A_103 = arith.constant 0.000000e+00 : f32
      %broadcast_in_dim3A_104 = vector.broadcast %broadcast_in_dim3A_103 : f32 to vector<16xf32>
      %broadcast_in_dim3A_105 = arith.constant 0.000000e+00 : f32
      %broadcast_in_dim3A_106 = vector.broadcast %broadcast_in_dim3A_105 : f32 to vector<16xf32>
      %broadcast_in_dim3A_107 = arith.constant 0.000000e+00 : f32
      %broadcast_in_dim3A_108 = vector.broadcast %broadcast_in_dim3A_107 : f32 to vector<16xf32>
      %broadcast_in_dim3A_109 = arith.constant 0.000000e+00 : f32
      %broadcast_in_dim3A_110 = vector.broadcast %broadcast_in_dim3A_109 : f32 to vector<16xf32>
      %broadcast_in_dim3A_111 = arith.constant 0.000000e+00 : f32
      %broadcast_in_dim3A_112 = vector.broadcast %broadcast_in_dim3A_111 : f32 to vector<16xf32>
      %scan3A_113 = arith.constant -65536 : i32
      %scan3A_114 = arith.constant 0 : i32
      %scan3A_115 = arith.constant 160 : i32
      %scan3A_116 = arith.addi %scan3A_114, %scan3A_115 : i32
      %scan3A_117 = arith.constant 1 : i32
      %scan3A_118:8 = scf.for %scan3A_194 = %scan3A_114 to %scan3A_116 step %scan3A_117 iter_args(%scan3A_195 = %broadcast_in_dim3A_98, %scan3A_196 = %broadcast_in_dim3A_100, %scan3A_197 = %broadcast_in_dim3A_102, %scan3A_198 = %broadcast_in_dim3A_104, %scan3A_199 = %broadcast_in_dim3A_106, %scan3A_200 = %broadcast_in_dim3A_108, %scan3A_201 = %broadcast_in_dim3A_110, %scan3A_202 = %broadcast_in_dim3A_112) -> (vector<16xf32>, vector<16xf32>, vector<16xf32>, vector<16xf32>, vector<16xf32>, vector<16xf32>, vector<16xf32>, vector<16xf32>)  : i32 {
        %mul3A_203 = arith.constant 4 : i32
        %mul3A_204 = arith.muli %scan3A_194, %mul3A_203 : i32
        %add3A_205 = arith.constant 0 : i32
        %add3A_206 = arith.addi %mul3A_204, %add3A_205 : i32
        %mul3A_207 = arith.constant 2 : i32
        %mul3A_208 = arith.muli %mul3A_207, %add3A_206 : i32
        %add3A_209 = vector.broadcast %mul3A_208 : i32 to vector<16xi32>
        %add3A_210 = arith.addi %select_n3A, %add3A_209 : vector<16xi32>
        %gather3A = tpu.vector_load_idx %arg7[%add3A_210, %select_n3A_96] : memref<1280x8xi32, #tpu.memory_space<vmem>>[vector<16xi32>, vector<16xi32>], vector<16xi32>,
        %gather3A_211 = tpu.vector_load_idx %arg8[%add3A_210, %select_n3A_96] : memref<1280x8xi32, #tpu.memory_space<vmem>>[vector<16xi32>, vector<16xi32>], vector<16xi32>,
        %shift_left3A = arith.constant 16 : i32
        %shift_left3A_212 = vector.broadcast %shift_left3A : i32 to vector<16xi32>
        %shift_left3A_213 = arith.shli %gather3A, %shift_left3A_212 : vector<16xi32>
        %bitcast3A = vector.bitcast %shift_left3A_213 : vector<16xi32> to vector<16xf32>
        %and3A = vector.broadcast %scan3A_113 : i32 to vector<16xi32>
        %and3A_214 = arith.andi %gather3A, %and3A : vector<16xi32>
        %bitcast3A_215 = vector.bitcast %and3A_214 : vector<16xi32> to vector<16xf32>
        %shift_left3A_216 = arith.constant 16 : i32
        %shift_left3A_217 = vector.broadcast %shift_left3A_216 : i32 to vector<16xi32>
        %shift_left3A_218 = arith.shli %gather3A_211, %shift_left3A_217 : vector<16xi32>
        %bitcast3A_219 = vector.bitcast %shift_left3A_218 : vector<16xi32> to vector<16xf32>
        %and3A_220 = vector.broadcast %scan3A_113 : i32 to vector<16xi32>
        %and3A_221 = arith.andi %gather3A_211, %and3A_220 : vector<16xi32>
        %bitcast3A_222 = vector.bitcast %and3A_221 : vector<16xi32> to vector<16xf32>
        %sub3A_223 = arith.constant 1.000000e+00 : f32
        %sub3A_224 = vector.broadcast %sub3A_223 : f32 to vector<16xf32>
        %sub3A_225 = arith.subf %sub3A_224, %bitcast3A_219 : vector<16xf32>
        %mul3A_226 = arith.mulf %bitcast3A, %sub3A_225 : vector<16xf32>
        %add3A_227 = arith.addf %scan3A_195, %mul3A_226 : vector<16xf32>
        %sub3A_228 = arith.constant 1.000000e+00 : f32
        %sub3A_229 = vector.broadcast %sub3A_228 : f32 to vector<16xf32>
        %sub3A_230 = arith.subf %sub3A_229, %bitcast3A_222 : vector<16xf32>
        %mul3A_231 = arith.mulf %bitcast3A_215, %sub3A_230 : vector<16xf32>
        %add3A_232 = arith.addf %scan3A_196, %mul3A_231 : vector<16xf32>
        %add3A_233 = arith.constant 1 : i32
        %add3A_234 = arith.addi %mul3A_204, %add3A_233 : i32
        %mul3A_235 = arith.constant 2 : i32
        %mul3A_236 = arith.muli %mul3A_235, %add3A_234 : i32
        %add3A_237 = vector.broadcast %mul3A_236 : i32 to vector<16xi32>
        %add3A_238 = arith.addi %select_n3A, %add3A_237 : vector<16xi32>
        %gather3A_239 = tpu.vector_load_idx %arg7[%add3A_238, %select_n3A_96] : memref<1280x8xi32, #tpu.memory_space<vmem>>[vector<16xi32>, vector<16xi32>], vector<16xi32>,
        %gather3A_240 = tpu.vector_load_idx %arg8[%add3A_238, %select_n3A_96] : memref<1280x8xi32, #tpu.memory_space<vmem>>[vector<16xi32>, vector<16xi32>], vector<16xi32>,
        %shift_left3A_241 = arith.constant 16 : i32
        %shift_left3A_242 = vector.broadcast %shift_left3A_241 : i32 to vector<16xi32>
        %shift_left3A_243 = arith.shli %gather3A_239, %shift_left3A_242 : vector<16xi32>
        %bitcast3A_244 = vector.bitcast %shift_left3A_243 : vector<16xi32> to vector<16xf32>
        %and3A_245 = vector.broadcast %scan3A_113 : i32 to vector<16xi32>
        %and3A_246 = arith.andi %gather3A_239, %and3A_245 : vector<16xi32>
        %bitcast3A_247 = vector.bitcast %and3A_246 : vector<16xi32> to vector<16xf32>
        %shift_left3A_248 = arith.constant 16 : i32
        %shift_left3A_249 = vector.broadcast %shift_left3A_248 : i32 to vector<16xi32>
        %shift_left3A_250 = arith.shli %gather3A_240, %shift_left3A_249 : vector<16xi32>
        %bitcast3A_251 = vector.bitcast %shift_left3A_250 : vector<16xi32> to vector<16xf32>
        %and3A_252 = vector.broadcast %scan3A_113 : i32 to vector<16xi32>
        %and3A_253 = arith.andi %gather3A_240, %and3A_252 : vector<16xi32>
        %bitcast3A_254 = vector.bitcast %and3A_253 : vector<16xi32> to vector<16xf32>
        %sub3A_255 = arith.constant 1.000000e+00 : f32
        %sub3A_256 = vector.broadcast %sub3A_255 : f32 to vector<16xf32>
        %sub3A_257 = arith.subf %sub3A_256, %bitcast3A_251 : vector<16xf32>
        %mul3A_258 = arith.mulf %bitcast3A_244, %sub3A_257 : vector<16xf32>
        %add3A_259 = arith.addf %scan3A_197, %mul3A_258 : vector<16xf32>
        %sub3A_260 = arith.constant 1.000000e+00 : f32
        %sub3A_261 = vector.broadcast %sub3A_260 : f32 to vector<16xf32>
        %sub3A_262 = arith.subf %sub3A_261, %bitcast3A_254 : vector<16xf32>
        %mul3A_263 = arith.mulf %bitcast3A_247, %sub3A_262 : vector<16xf32>
        %add3A_264 = arith.addf %scan3A_198, %mul3A_263 : vector<16xf32>
        %add3A_265 = arith.constant 2 : i32
        %add3A_266 = arith.addi %mul3A_204, %add3A_265 : i32
        %mul3A_267 = arith.constant 2 : i32
        %mul3A_268 = arith.muli %mul3A_267, %add3A_266 : i32
        %add3A_269 = vector.broadcast %mul3A_268 : i32 to vector<16xi32>
        %add3A_270 = arith.addi %select_n3A, %add3A_269 : vector<16xi32>
        %gather3A_271 = tpu.vector_load_idx %arg7[%add3A_270, %select_n3A_96] : memref<1280x8xi32, #tpu.memory_space<vmem>>[vector<16xi32>, vector<16xi32>], vector<16xi32>,
        %gather3A_272 = tpu.vector_load_idx %arg8[%add3A_270, %select_n3A_96] : memref<1280x8xi32, #tpu.memory_space<vmem>>[vector<16xi32>, vector<16xi32>], vector<16xi32>,
        %shift_left3A_273 = arith.constant 16 : i32
        %shift_left3A_274 = vector.broadcast %shift_left3A_273 : i32 to vector<16xi32>
        %shift_left3A_275 = arith.shli %gather3A_271, %shift_left3A_274 : vector<16xi32>
        %bitcast3A_276 = vector.bitcast %shift_left3A_275 : vector<16xi32> to vector<16xf32>
        %and3A_277 = vector.broadcast %scan3A_113 : i32 to vector<16xi32>
        %and3A_278 = arith.andi %gather3A_271, %and3A_277 : vector<16xi32>
        %bitcast3A_279 = vector.bitcast %and3A_278 : vector<16xi32> to vector<16xf32>
        %shift_left3A_280 = arith.constant 16 : i32
        %shift_left3A_281 = vector.broadcast %shift_left3A_280 : i32 to vector<16xi32>
        %shift_left3A_282 = arith.shli %gather3A_272, %shift_left3A_281 : vector<16xi32>
        %bitcast3A_283 = vector.bitcast %shift_left3A_282 : vector<16xi32> to vector<16xf32>
        %and3A_284 = vector.broadcast %scan3A_113 : i32 to vector<16xi32>
        %and3A_285 = arith.andi %gather3A_272, %and3A_284 : vector<16xi32>
        %bitcast3A_286 = vector.bitcast %and3A_285 : vector<16xi32> to vector<16xf32>
        %sub3A_287 = arith.constant 1.000000e+00 : f32
        %sub3A_288 = vector.broadcast %sub3A_287 : f32 to vector<16xf32>
        %sub3A_289 = arith.subf %sub3A_288, %bitcast3A_283 : vector<16xf32>
        %mul3A_290 = arith.mulf %bitcast3A_276, %sub3A_289 : vector<16xf32>
        %add3A_291 = arith.addf %scan3A_199, %mul3A_290 : vector<16xf32>
        %sub3A_292 = arith.constant 1.000000e+00 : f32
        %sub3A_293 = vector.broadcast %sub3A_292 : f32 to vector<16xf32>
        %sub3A_294 = arith.subf %sub3A_293, %bitcast3A_286 : vector<16xf32>
        %mul3A_295 = arith.mulf %bitcast3A_279, %sub3A_294 : vector<16xf32>
        %add3A_296 = arith.addf %scan3A_200, %mul3A_295 : vector<16xf32>
        %add3A_297 = arith.constant 3 : i32
        %add3A_298 = arith.addi %mul3A_204, %add3A_297 : i32
        %mul3A_299 = arith.constant 2 : i32
        %mul3A_300 = arith.muli %mul3A_299, %add3A_298 : i32
        %add3A_301 = vector.broadcast %mul3A_300 : i32 to vector<16xi32>
        %add3A_302 = arith.addi %select_n3A, %add3A_301 : vector<16xi32>
        %gather3A_303 = tpu.vector_load_idx %arg7[%add3A_302, %select_n3A_96] : memref<1280x8xi32, #tpu.memory_space<vmem>>[vector<16xi32>, vector<16xi32>], vector<16xi32>,
        %gather3A_304 = tpu.vector_load_idx %arg8[%add3A_302, %select_n3A_96] : memref<1280x8xi32, #tpu.memory_space<vmem>>[vector<16xi32>, vector<16xi32>], vector<16xi32>,
        %shift_left3A_305 = arith.constant 16 : i32
        %shift_left3A_306 = vector.broadcast %shift_left3A_305 : i32 to vector<16xi32>
        %shift_left3A_307 = arith.shli %gather3A_303, %shift_left3A_306 : vector<16xi32>
        %bitcast3A_308 = vector.bitcast %shift_left3A_307 : vector<16xi32> to vector<16xf32>
        %and3A_309 = vector.broadcast %scan3A_113 : i32 to vector<16xi32>
        %and3A_310 = arith.andi %gather3A_303, %and3A_309 : vector<16xi32>
        %bitcast3A_311 = vector.bitcast %and3A_310 : vector<16xi32> to vector<16xf32>
        %shift_left3A_312 = arith.constant 16 : i32
        %shift_left3A_313 = vector.broadcast %shift_left3A_312 : i32 to vector<16xi32>
        %shift_left3A_314 = arith.shli %gather3A_304, %shift_left3A_313 : vector<16xi32>
        %bitcast3A_315 = vector.bitcast %shift_left3A_314 : vector<16xi32> to vector<16xf32>
        %and3A_316 = vector.broadcast %scan3A_113 : i32 to vector<16xi32>
        %and3A_317 = arith.andi %gather3A_304, %and3A_316 : vector<16xi32>
        %bitcast3A_318 = vector.bitcast %and3A_317 : vector<16xi32> to vector<16xf32>
        %sub3A_319 = arith.constant 1.000000e+00 : f32
        %sub3A_320 = vector.broadcast %sub3A_319 : f32 to vector<16xf32>
        %sub3A_321 = arith.subf %sub3A_320, %bitcast3A_315 : vector<16xf32>
        %mul3A_322 = arith.mulf %bitcast3A_308, %sub3A_321 : vector<16xf32>
        %add3A_323 = arith.addf %scan3A_201, %mul3A_322 : vector<16xf32>
        %sub3A_324 = arith.constant 1.000000e+00 : f32
        %sub3A_325 = vector.broadcast %sub3A_324 : f32 to vector<16xf32>
        %sub3A_326 = arith.subf %sub3A_325, %bitcast3A_318 : vector<16xf32>
        %mul3A_327 = arith.mulf %bitcast3A_311, %sub3A_326 : vector<16xf32>
        %add3A_328 = arith.addf %scan3A_202, %mul3A_327 : vector<16xf32>
        scf.yield %add3A_227, %add3A_232, %add3A_259, %add3A_264, %add3A_291, %add3A_296, %add3A_323, %add3A_328 : vector<16xf32>, vector<16xf32>, vector<16xf32>, vector<16xf32>, vector<16xf32>, vector<16xf32>, vector<16xf32>, vector<16xf32>
      }
      %scan3A_119 = arith.constant 160 : i32
      %add3A_120 = arith.addf %scan3A_118#0, %scan3A_118#1 : vector<16xf32>
      %add3A_121 = arith.addf %add3A_120, %scan3A_118#2 : vector<16xf32>
      %add3A_122 = arith.addf %add3A_121, %scan3A_118#3 : vector<16xf32>
      %add3A_123 = arith.addf %add3A_122, %scan3A_118#4 : vector<16xf32>
      %add3A_124 = arith.addf %add3A_123, %scan3A_118#5 : vector<16xf32>
      %add3A_125 = arith.addf %add3A_124, %scan3A_118#6 : vector<16xf32>
      %add3A_126 = arith.addf %add3A_125, %scan3A_118#7 : vector<16xf32>
      %add3A_127 = arith.addf %scan3A_43, %add3A_126 : vector<16xf32>
      %dma_wait3A_128 = arith.constant 0 : i32
      %dma_wait3A_129 = arith.constant 0 : i32
      %dma_wait3A_130 = tpu.memref_slice %arg6[%dma_wait3A_128, %dma_wait3A_129] : memref<2x1280xi32, #tpu.memory_space<vmem>> -> memref<1x1280xi32, #tpu.memory_space<vmem>>
      %dma_wait3A_131 = tpu.memref_squeeze %dma_wait3A_130 : memref<1x1280xi32, #tpu.memory_space<vmem>> -> memref<1280xi32, #tpu.memory_space<vmem>>
      %dma_wait3A_132 = arith.constant 0 : i32
      %dma_wait3A_133 = arith.constant 0 : i32
      %dma_wait3A_134 = tpu.memref_slice %arg12[%dma_wait3A_132, %dma_wait3A_133] : memref<100000x8xi32, #tpu.memory_space<vmem_shared>> -> memref<100000x8xi32, #tpu.memory_space<vmem_shared>>
      tpu.wait_indirect_dma semaphore(%arg14 : memref<!tpu.dma_semaphore, #tpu.memory_space<semaphore_mem>>) src(%dma_wait3A_134 : memref<100000x8xi32, #tpu.memory_space<vmem_shared>>) dst(%arg9 : memref<1280x8xi32, #tpu.memory_space<vmem>>)
      %dma_wait3A_135 = arith.constant 1 : i32
      %dma_wait3A_136 = arith.constant 0 : i32
      %dma_wait3A_137 = tpu.memref_slice %arg6[%dma_wait3A_135, %dma_wait3A_136] : memref<2x1280xi32, #tpu.memory_space<vmem>> -> memref<1x1280xi32, #tpu.memory_space<vmem>>
      %dma_wait3A_138 = tpu.memref_squeeze %dma_wait3A_137 : memref<1x1280xi32, #tpu.memory_space<vmem>> -> memref<1280xi32, #tpu.memory_space<vmem>>
      %dma_wait3A_139 = arith.constant 0 : i32
      %dma_wait3A_140 = arith.constant 0 : i32
      %dma_wait3A_141 = tpu.memref_slice %arg12[%dma_wait3A_139, %dma_wait3A_140] : memref<100000x8xi32, #tpu.memory_space<vmem_shared>> -> memref<100000x8xi32, #tpu.memory_space<vmem_shared>>
      tpu.wait_indirect_dma semaphore(%arg14 : memref<!tpu.dma_semaphore, #tpu.memory_space<semaphore_mem>>) src(%dma_wait3A_141 : memref<100000x8xi32, #tpu.memory_space<vmem_shared>>) dst(%arg10 : memref<1280x8xi32, #tpu.memory_space<vmem>>)
      %lt3A_142 = arith.constant 38 : i32
      %lt3A_143 = arith.cmpi slt, %scan3A_42, %lt3A_142 : i32
      %convert_element_type3A_144 = arith.extui %lt3A_143 : i1 to i32
      %cond3A_145 = arith.constant 0 : i32
      %cond3A_146 = arith.cmpi ne, %convert_element_type3A_144, %cond3A_145 : i32
      scf.if %cond3A_146 {
        %dma_wait3A_194 = arith.constant 0 : i32
        %dma_wait3A_195 = arith.constant 0 : i32
        %dma_wait3A_196 = tpu.memref_slice %arg2[%dma_wait3A_194, %dma_wait3A_195] : memref<2x3200000xi32, #tpu.memory_space<hbm>> -> memref<2x1280xi32, #tpu.memory_space<hbm>>
        %dma_wait3A_197 = arith.constant 0 : i32
        %dma_wait3A_198 = arith.constant 0 : i32
        %dma_wait3A_199 = tpu.memref_slice %arg2[%dma_wait3A_197, %dma_wait3A_198] : memref<2x3200000xi32, #tpu.memory_space<hbm>> -> memref<2x1280xi32, #tpu.memory_space<hbm>>
        tpu.wait_dma2 semaphore(%arg15 : memref<!tpu.dma_semaphore, #tpu.memory_space<semaphore_mem>>) src(%dma_wait3A_199 : memref<2x1280xi32, #tpu.memory_space<hbm>>) dst(%arg5 : memref<2x1280xi32, #tpu.memory_space<vmem>>)
        %dma_start3A_200 = arith.constant 0 : i32
        %dma_start3A_201 = arith.constant 0 : i32
        %dma_start3A_202 = tpu.memref_slice %arg5[%dma_start3A_200, %dma_start3A_201] : memref<2x1280xi32, #tpu.memory_space<vmem>> -> memref<1x1280xi32, #tpu.memory_space<vmem>>
        %dma_start3A_203 = tpu.memref_squeeze %dma_start3A_202 : memref<1x1280xi32, #tpu.memory_space<vmem>> -> memref<1280xi32, #tpu.memory_space<vmem>>
        %dma_start3A_204 = arith.constant 0 : i32
        %dma_start3A_205 = arith.constant 0 : i32
        %dma_start3A_206 = tpu.memref_slice %arg12[%dma_start3A_204, %dma_start3A_205] : memref<100000x8xi32, #tpu.memory_space<vmem_shared>> -> memref<100000x8xi32, #tpu.memory_space<vmem_shared>>
        tpu.enqueue_indirect_dma source(%dma_start3A_206 : memref<100000x8xi32, #tpu.memory_space<vmem_shared>>) target(%arg7 : memref<1280x8xi32, #tpu.memory_space<vmem>>) offsets(%dma_start3A_203 : memref<1280xi32, #tpu.memory_space<vmem>>) semaphore(%arg13 : memref<!tpu.dma_semaphore, #tpu.memory_space<semaphore_mem>>)
        %dma_start3A_207 = arith.constant 1 : i32
        %dma_start3A_208 = arith.constant 0 : i32
        %dma_start3A_209 = tpu.memref_slice %arg5[%dma_start3A_207, %dma_start3A_208] : memref<2x1280xi32, #tpu.memory_space<vmem>> -> memref<1x1280xi32, #tpu.memory_space<vmem>>
        %dma_start3A_210 = tpu.memref_squeeze %dma_start3A_209 : memref<1x1280xi32, #tpu.memory_space<vmem>> -> memref<1280xi32, #tpu.memory_space<vmem>>
        %dma_start3A_211 = arith.constant 0 : i32
        %dma_start3A_212 = arith.constant 0 : i32
        %dma_start3A_213 = tpu.memref_slice %arg12[%dma_start3A_211, %dma_start3A_212] : memref<100000x8xi32, #tpu.memory_space<vmem_shared>> -> memref<100000x8xi32, #tpu.memory_space<vmem_shared>>
        tpu.enqueue_indirect_dma source(%dma_start3A_213 : memref<100000x8xi32, #tpu.memory_space<vmem_shared>>) target(%arg8 : memref<1280x8xi32, #tpu.memory_space<vmem>>) offsets(%dma_start3A_210 : memref<1280xi32, #tpu.memory_space<vmem>>) semaphore(%arg13 : memref<!tpu.dma_semaphore, #tpu.memory_space<semaphore_mem>>)
        %add3A_214 = arith.constant 3 : i32
        %add3A_215 = arith.addi %mul3A_45, %add3A_214 : i32
        %mul3A_216 = arith.constant 1280 : i32
        %mul3A_217 = arith.muli %add3A_215, %mul3A_216 : i32
        %add3A_218 = arith.addi %mul3A_2, %mul3A_217 : i32
        %dma_start3A_219 = arith.constant 0 : i32
        %dma_start3A_220 = tpu.memref_slice %arg2[%dma_start3A_219, %add3A_218] : memref<2x3200000xi32, #tpu.memory_space<hbm>> -> memref<2x1280xi32, #tpu.memory_space<hbm>>
        %dma_start3A_221 = arith.constant 0 : i32
        %dma_start3A_222 = tpu.memref_slice %arg2[%dma_start3A_221, %add3A_218] : memref<2x3200000xi32, #tpu.memory_space<hbm>> -> memref<2x1280xi32, #tpu.memory_space<hbm>>
        tpu.enqueue_dma source(%dma_start3A_222 : memref<2x1280xi32, #tpu.memory_space<hbm>>) target(%arg6 : memref<2x1280xi32, #tpu.memory_space<vmem>>) target_semaphore(%arg16 : memref<!tpu.dma_semaphore, #tpu.memory_space<semaphore_mem>>)
      } else {
      }
      %iota3A_147 = tpu.iota {dimensions = array<i32: 0>} : vector<16xi32>
      %lt3A_148 = arith.constant 8 : i32
      %lt3A_149 = vector.broadcast %lt3A_148 : i32 to vector<16xi32>
      %lt3A_150 = arith.cmpi slt, %iota3A_147, %lt3A_149 : vector<16xi32>
      %jit3A_151 = arith.constant 0 : i32
      %jit3A_152 = arith.constant 1 : i32
      %broadcast_in_dim3A_153 = vector.broadcast %jit3A_151 : i32 to vector<16xi32>
      %broadcast_in_dim3A_154 = vector.broadcast %jit3A_152 : i32 to vector<16xi32>
      %select_n3A_155 = arith.select %lt3A_150, %broadcast_in_dim3A_153, %broadcast_in_dim3A_154 : vector<16xi1>, vector<16xi32>
      %lt3A_156 = arith.constant 8 : i32
      %lt3A_157 = vector.broadcast %lt3A_156 : i32 to vector<16xi32>
      %lt3A_158 = arith.cmpi slt, %iota3A_147, %lt3A_157 : vector<16xi32>
      %sub3A_159 = arith.constant 8 : i32
      %sub3A_160 = vector.broadcast %sub3A_159 : i32 to vector<16xi32>
      %sub3A_161 = arith.subi %iota3A_147, %sub3A_160 : vector<16xi32>
      %select_n3A_162 = arith.select %lt3A_158, %iota3A_147, %sub3A_161 : vector<16xi1>, vector<16xi32>
      %broadcast_in_dim3A_163 = arith.constant 0.000000e+00 : f32
      %broadcast_in_dim3A_164 = vector.broadcast %broadcast_in_dim3A_163 : f32 to vector<16xf32>
      %broadcast_in_dim3A_165 = arith.constant 0.000000e+00 : f32
      %broadcast_in_dim3A_166 = vector.broadcast %broadcast_in_dim3A_165 : f32 to vector<16xf32>
      %broadcast_in_dim3A_167 = arith.constant 0.000000e+00 : f32
      %broadcast_in_dim3A_168 = vector.broadcast %broadcast_in_dim3A_167 : f32 to vector<16xf32>
      %broadcast_in_dim3A_169 = arith.constant 0.000000e+00 : f32
      %broadcast_in_dim3A_170 = vector.broadcast %broadcast_in_dim3A_169 : f32 to vector<16xf32>
      %broadcast_in_dim3A_171 = arith.constant 0.000000e+00 : f32
      %broadcast_in_dim3A_172 = vector.broadcast %broadcast_in_dim3A_171 : f32 to vector<16xf32>
      %broadcast_in_dim3A_173 = arith.constant 0.000000e+00 : f32
      %broadcast_in_dim3A_174 = vector.broadcast %broadcast_in_dim3A_173 : f32 to vector<16xf32>
      %broadcast_in_dim3A_175 = arith.constant 0.000000e+00 : f32
      %broadcast_in_dim3A_176 = vector.broadcast %broadcast_in_dim3A_175 : f32 to vector<16xf32>
      %broadcast_in_dim3A_177 = arith.constant 0.000000e+00 : f32
      %broadcast_in_dim3A_178 = vector.broadcast %broadcast_in_dim3A_177 : f32 to vector<16xf32>
      %scan3A_179 = arith.constant -65536 : i32
      %scan3A_180 = arith.constant 0 : i32
      %scan3A_181 = arith.constant 160 : i32
      %scan3A_182 = arith.addi %scan3A_180, %scan3A_181 : i32
      %scan3A_183 = arith.constant 1 : i32
      %scan3A_184:8 = scf.for %scan3A_194 = %scan3A_180 to %scan3A_182 step %scan3A_183 iter_args(%scan3A_195 = %broadcast_in_dim3A_164, %scan3A_196 = %broadcast_in_dim3A_166, %scan3A_197 = %broadcast_in_dim3A_168, %scan3A_198 = %broadcast_in_dim3A_170, %scan3A_199 = %broadcast_in_dim3A_172, %scan3A_200 = %broadcast_in_dim3A_174, %scan3A_201 = %broadcast_in_dim3A_176, %scan3A_202 = %broadcast_in_dim3A_178) -> (vector<16xf32>, vector<16xf32>, vector<16xf32>, vector<16xf32>, vector<16xf32>, vector<16xf32>, vector<16xf32>, vector<16xf32>)  : i32 {
        %mul3A_203 = arith.constant 4 : i32
        %mul3A_204 = arith.muli %scan3A_194, %mul3A_203 : i32
        %add3A_205 = arith.constant 0 : i32
        %add3A_206 = arith.addi %mul3A_204, %add3A_205 : i32
        %mul3A_207 = arith.constant 2 : i32
        %mul3A_208 = arith.muli %mul3A_207, %add3A_206 : i32
        %add3A_209 = vector.broadcast %mul3A_208 : i32 to vector<16xi32>
        %add3A_210 = arith.addi %select_n3A_155, %add3A_209 : vector<16xi32>
        %gather3A = tpu.vector_load_idx %arg9[%add3A_210, %select_n3A_162] : memref<1280x8xi32, #tpu.memory_space<vmem>>[vector<16xi32>, vector<16xi32>], vector<16xi32>,
        %gather3A_211 = tpu.vector_load_idx %arg10[%add3A_210, %select_n3A_162] : memref<1280x8xi32, #tpu.memory_space<vmem>>[vector<16xi32>, vector<16xi32>], vector<16xi32>,
        %shift_left3A = arith.constant 16 : i32
        %shift_left3A_212 = vector.broadcast %shift_left3A : i32 to vector<16xi32>
        %shift_left3A_213 = arith.shli %gather3A, %shift_left3A_212 : vector<16xi32>
        %bitcast3A = vector.bitcast %shift_left3A_213 : vector<16xi32> to vector<16xf32>
        %and3A = vector.broadcast %scan3A_179 : i32 to vector<16xi32>
        %and3A_214 = arith.andi %gather3A, %and3A : vector<16xi32>
        %bitcast3A_215 = vector.bitcast %and3A_214 : vector<16xi32> to vector<16xf32>
        %shift_left3A_216 = arith.constant 16 : i32
        %shift_left3A_217 = vector.broadcast %shift_left3A_216 : i32 to vector<16xi32>
        %shift_left3A_218 = arith.shli %gather3A_211, %shift_left3A_217 : vector<16xi32>
        %bitcast3A_219 = vector.bitcast %shift_left3A_218 : vector<16xi32> to vector<16xf32>
        %and3A_220 = vector.broadcast %scan3A_179 : i32 to vector<16xi32>
        %and3A_221 = arith.andi %gather3A_211, %and3A_220 : vector<16xi32>
        %bitcast3A_222 = vector.bitcast %and3A_221 : vector<16xi32> to vector<16xf32>
        %sub3A_223 = arith.constant 1.000000e+00 : f32
        %sub3A_224 = vector.broadcast %sub3A_223 : f32 to vector<16xf32>
        %sub3A_225 = arith.subf %sub3A_224, %bitcast3A_219 : vector<16xf32>
        %mul3A_226 = arith.mulf %bitcast3A, %sub3A_225 : vector<16xf32>
        %add3A_227 = arith.addf %scan3A_195, %mul3A_226 : vector<16xf32>
        %sub3A_228 = arith.constant 1.000000e+00 : f32
        %sub3A_229 = vector.broadcast %sub3A_228 : f32 to vector<16xf32>
        %sub3A_230 = arith.subf %sub3A_229, %bitcast3A_222 : vector<16xf32>
        %mul3A_231 = arith.mulf %bitcast3A_215, %sub3A_230 : vector<16xf32>
        %add3A_232 = arith.addf %scan3A_196, %mul3A_231 : vector<16xf32>
        %add3A_233 = arith.constant 1 : i32
        %add3A_234 = arith.addi %mul3A_204, %add3A_233 : i32
        %mul3A_235 = arith.constant 2 : i32
        %mul3A_236 = arith.muli %mul3A_235, %add3A_234 : i32
        %add3A_237 = vector.broadcast %mul3A_236 : i32 to vector<16xi32>
        %add3A_238 = arith.addi %select_n3A_155, %add3A_237 : vector<16xi32>
        %gather3A_239 = tpu.vector_load_idx %arg9[%add3A_238, %select_n3A_162] : memref<1280x8xi32, #tpu.memory_space<vmem>>[vector<16xi32>, vector<16xi32>], vector<16xi32>,
        %gather3A_240 = tpu.vector_load_idx %arg10[%add3A_238, %select_n3A_162] : memref<1280x8xi32, #tpu.memory_space<vmem>>[vector<16xi32>, vector<16xi32>], vector<16xi32>,
        %shift_left3A_241 = arith.constant 16 : i32
        %shift_left3A_242 = vector.broadcast %shift_left3A_241 : i32 to vector<16xi32>
        %shift_left3A_243 = arith.shli %gather3A_239, %shift_left3A_242 : vector<16xi32>
        %bitcast3A_244 = vector.bitcast %shift_left3A_243 : vector<16xi32> to vector<16xf32>
        %and3A_245 = vector.broadcast %scan3A_179 : i32 to vector<16xi32>
        %and3A_246 = arith.andi %gather3A_239, %and3A_245 : vector<16xi32>
        %bitcast3A_247 = vector.bitcast %and3A_246 : vector<16xi32> to vector<16xf32>
        %shift_left3A_248 = arith.constant 16 : i32
        %shift_left3A_249 = vector.broadcast %shift_left3A_248 : i32 to vector<16xi32>
        %shift_left3A_250 = arith.shli %gather3A_240, %shift_left3A_249 : vector<16xi32>
        %bitcast3A_251 = vector.bitcast %shift_left3A_250 : vector<16xi32> to vector<16xf32>
        %and3A_252 = vector.broadcast %scan3A_179 : i32 to vector<16xi32>
        %and3A_253 = arith.andi %gather3A_240, %and3A_252 : vector<16xi32>
        %bitcast3A_254 = vector.bitcast %and3A_253 : vector<16xi32> to vector<16xf32>
        %sub3A_255 = arith.constant 1.000000e+00 : f32
        %sub3A_256 = vector.broadcast %sub3A_255 : f32 to vector<16xf32>
        %sub3A_257 = arith.subf %sub3A_256, %bitcast3A_251 : vector<16xf32>
        %mul3A_258 = arith.mulf %bitcast3A_244, %sub3A_257 : vector<16xf32>
        %add3A_259 = arith.addf %scan3A_197, %mul3A_258 : vector<16xf32>
        %sub3A_260 = arith.constant 1.000000e+00 : f32
        %sub3A_261 = vector.broadcast %sub3A_260 : f32 to vector<16xf32>
        %sub3A_262 = arith.subf %sub3A_261, %bitcast3A_254 : vector<16xf32>
        %mul3A_263 = arith.mulf %bitcast3A_247, %sub3A_262 : vector<16xf32>
        %add3A_264 = arith.addf %scan3A_198, %mul3A_263 : vector<16xf32>
        %add3A_265 = arith.constant 2 : i32
        %add3A_266 = arith.addi %mul3A_204, %add3A_265 : i32
        %mul3A_267 = arith.constant 2 : i32
        %mul3A_268 = arith.muli %mul3A_267, %add3A_266 : i32
        %add3A_269 = vector.broadcast %mul3A_268 : i32 to vector<16xi32>
        %add3A_270 = arith.addi %select_n3A_155, %add3A_269 : vector<16xi32>
        %gather3A_271 = tpu.vector_load_idx %arg9[%add3A_270, %select_n3A_162] : memref<1280x8xi32, #tpu.memory_space<vmem>>[vector<16xi32>, vector<16xi32>], vector<16xi32>,
        %gather3A_272 = tpu.vector_load_idx %arg10[%add3A_270, %select_n3A_162] : memref<1280x8xi32, #tpu.memory_space<vmem>>[vector<16xi32>, vector<16xi32>], vector<16xi32>,
        %shift_left3A_273 = arith.constant 16 : i32
        %shift_left3A_274 = vector.broadcast %shift_left3A_273 : i32 to vector<16xi32>
        %shift_left3A_275 = arith.shli %gather3A_271, %shift_left3A_274 : vector<16xi32>
        %bitcast3A_276 = vector.bitcast %shift_left3A_275 : vector<16xi32> to vector<16xf32>
        %and3A_277 = vector.broadcast %scan3A_179 : i32 to vector<16xi32>
        %and3A_278 = arith.andi %gather3A_271, %and3A_277 : vector<16xi32>
        %bitcast3A_279 = vector.bitcast %and3A_278 : vector<16xi32> to vector<16xf32>
        %shift_left3A_280 = arith.constant 16 : i32
        %shift_left3A_281 = vector.broadcast %shift_left3A_280 : i32 to vector<16xi32>
        %shift_left3A_282 = arith.shli %gather3A_272, %shift_left3A_281 : vector<16xi32>
        %bitcast3A_283 = vector.bitcast %shift_left3A_282 : vector<16xi32> to vector<16xf32>
        %and3A_284 = vector.broadcast %scan3A_179 : i32 to vector<16xi32>
        %and3A_285 = arith.andi %gather3A_272, %and3A_284 : vector<16xi32>
        %bitcast3A_286 = vector.bitcast %and3A_285 : vector<16xi32> to vector<16xf32>
        %sub3A_287 = arith.constant 1.000000e+00 : f32
        %sub3A_288 = vector.broadcast %sub3A_287 : f32 to vector<16xf32>
        %sub3A_289 = arith.subf %sub3A_288, %bitcast3A_283 : vector<16xf32>
        %mul3A_290 = arith.mulf %bitcast3A_276, %sub3A_289 : vector<16xf32>
        %add3A_291 = arith.addf %scan3A_199, %mul3A_290 : vector<16xf32>
        %sub3A_292 = arith.constant 1.000000e+00 : f32
        %sub3A_293 = vector.broadcast %sub3A_292 : f32 to vector<16xf32>
        %sub3A_294 = arith.subf %sub3A_293, %bitcast3A_286 : vector<16xf32>
        %mul3A_295 = arith.mulf %bitcast3A_279, %sub3A_294 : vector<16xf32>
        %add3A_296 = arith.addf %scan3A_200, %mul3A_295 : vector<16xf32>
        %add3A_297 = arith.constant 3 : i32
        %add3A_298 = arith.addi %mul3A_204, %add3A_297 : i32
        %mul3A_299 = arith.constant 2 : i32
        %mul3A_300 = arith.muli %mul3A_299, %add3A_298 : i32
        %add3A_301 = vector.broadcast %mul3A_300 : i32 to vector<16xi32>
        %add3A_302 = arith.addi %select_n3A_155, %add3A_301 : vector<16xi32>
        %gather3A_303 = tpu.vector_load_idx %arg9[%add3A_302, %select_n3A_162] : memref<1280x8xi32, #tpu.memory_space<vmem>>[vector<16xi32>, vector<16xi32>], vector<16xi32>,
        %gather3A_304 = tpu.vector_load_idx %arg10[%add3A_302, %select_n3A_162] : memref<1280x8xi32, #tpu.memory_space<vmem>>[vector<16xi32>, vector<16xi32>], vector<16xi32>,
        %shift_left3A_305 = arith.constant 16 : i32
        %shift_left3A_306 = vector.broadcast %shift_left3A_305 : i32 to vector<16xi32>
        %shift_left3A_307 = arith.shli %gather3A_303, %shift_left3A_306 : vector<16xi32>
        %bitcast3A_308 = vector.bitcast %shift_left3A_307 : vector<16xi32> to vector<16xf32>
        %and3A_309 = vector.broadcast %scan3A_179 : i32 to vector<16xi32>
        %and3A_310 = arith.andi %gather3A_303, %and3A_309 : vector<16xi32>
        %bitcast3A_311 = vector.bitcast %and3A_310 : vector<16xi32> to vector<16xf32>
        %shift_left3A_312 = arith.constant 16 : i32
        %shift_left3A_313 = vector.broadcast %shift_left3A_312 : i32 to vector<16xi32>
        %shift_left3A_314 = arith.shli %gather3A_304, %shift_left3A_313 : vector<16xi32>
        %bitcast3A_315 = vector.bitcast %shift_left3A_314 : vector<16xi32> to vector<16xf32>
        %and3A_316 = vector.broadcast %scan3A_179 : i32 to vector<16xi32>
        %and3A_317 = arith.andi %gather3A_304, %and3A_316 : vector<16xi32>
        %bitcast3A_318 = vector.bitcast %and3A_317 : vector<16xi32> to vector<16xf32>
        %sub3A_319 = arith.constant 1.000000e+00 : f32
        %sub3A_320 = vector.broadcast %sub3A_319 : f32 to vector<16xf32>
        %sub3A_321 = arith.subf %sub3A_320, %bitcast3A_315 : vector<16xf32>
        %mul3A_322 = arith.mulf %bitcast3A_308, %sub3A_321 : vector<16xf32>
        %add3A_323 = arith.addf %scan3A_201, %mul3A_322 : vector<16xf32>
        %sub3A_324 = arith.constant 1.000000e+00 : f32
        %sub3A_325 = vector.broadcast %sub3A_324 : f32 to vector<16xf32>
        %sub3A_326 = arith.subf %sub3A_325, %bitcast3A_318 : vector<16xf32>
        %mul3A_327 = arith.mulf %bitcast3A_311, %sub3A_326 : vector<16xf32>
        %add3A_328 = arith.addf %scan3A_202, %mul3A_327 : vector<16xf32>
        scf.yield %add3A_227, %add3A_232, %add3A_259, %add3A_264, %add3A_291, %add3A_296, %add3A_323, %add3A_328 : vector<16xf32>, vector<16xf32>, vector<16xf32>, vector<16xf32>, vector<16xf32>, vector<16xf32>, vector<16xf32>, vector<16xf32>
      }
      %scan3A_185 = arith.constant 160 : i32
      %add3A_186 = arith.addf %scan3A_184#0, %scan3A_184#1 : vector<16xf32>
      %add3A_187 = arith.addf %add3A_186, %scan3A_184#2 : vector<16xf32>
      %add3A_188 = arith.addf %add3A_187, %scan3A_184#3 : vector<16xf32>
      %add3A_189 = arith.addf %add3A_188, %scan3A_184#4 : vector<16xf32>
      %add3A_190 = arith.addf %add3A_189, %scan3A_184#5 : vector<16xf32>
      %add3A_191 = arith.addf %add3A_190, %scan3A_184#6 : vector<16xf32>
      %add3A_192 = arith.addf %add3A_191, %scan3A_184#7 : vector<16xf32>
      %add3A_193 = arith.addf %add3A_127, %add3A_192 : vector<16xf32>
      scf.yield %add3A_193 : vector<16xf32>
    }
    %scan3A_38 = arith.constant 39 : i32
    %swap3A = arith.constant 0 : index
    %swap3A_39 = tpu.vector_load %arg11[%swap3A] {strides = array<i32>} : memref<16xf32, #tpu.memory_space<vmem>>, vector<16xf32>,
    tpu.vector_store %arg11[%swap3A], %scan3A_37 {strides = array<i32>} : memref<16xf32, #tpu.memory_space<vmem>>, vector<16xf32>,
    %lt3A = arith.constant 4 : i32
    %lt3A_40 = arith.cmpi slt, %add3A, %lt3A : i32
    %convert_element_type3A = arith.extui %lt3A_40 : i1 to i32
    %cond3A = arith.constant 0 : i32
    %cond3A_41 = arith.cmpi ne, %convert_element_type3A, %cond3A : i32
    scf.if %cond3A_41 {
      %mul3A_42 = arith.constant 1280 : i32
      %mul3A_43 = arith.muli %add3A, %mul3A_42 : i32
      %add3A_44 = arith.constant 3194880 : i32
      %add3A_45 = arith.addi %add3A_44, %mul3A_43 : i32
      %dma_start3A_46 = arith.constant 0 : i32
      %dma_start3A_47 = tpu.memref_slice %arg2[%dma_start3A_46, %add3A_45] : memref<2x3200000xi32, #tpu.memory_space<hbm>> -> memref<2x1280xi32, #tpu.memory_space<hbm>>
      %dma_start3A_48 = arith.constant 0 : i32
      %dma_start3A_49 = tpu.memref_slice %arg2[%dma_start3A_48, %add3A_45] : memref<2x3200000xi32, #tpu.memory_space<hbm>> -> memref<2x1280xi32, #tpu.memory_space<hbm>>
      tpu.enqueue_dma source(%dma_start3A_49 : memref<2x1280xi32, #tpu.memory_space<hbm>>) target(%arg5 : memref<2x1280xi32, #tpu.memory_space<vmem>>) target_semaphore(%arg15 : memref<!tpu.dma_semaphore, #tpu.memory_space<semaphore_mem>>)
      %dma_wait3A_50 = arith.constant 0 : i32
      %dma_wait3A_51 = arith.constant 0 : i32
      %dma_wait3A_52 = tpu.memref_slice %arg2[%dma_wait3A_50, %dma_wait3A_51] : memref<2x3200000xi32, #tpu.memory_space<hbm>> -> memref<2x1280xi32, #tpu.memory_space<hbm>>
      %dma_wait3A_53 = arith.constant 0 : i32
      %dma_wait3A_54 = arith.constant 0 : i32
      %dma_wait3A_55 = tpu.memref_slice %arg2[%dma_wait3A_53, %dma_wait3A_54] : memref<2x3200000xi32, #tpu.memory_space<hbm>> -> memref<2x1280xi32, #tpu.memory_space<hbm>>
      tpu.wait_dma2 semaphore(%arg15 : memref<!tpu.dma_semaphore, #tpu.memory_space<semaphore_mem>>) src(%dma_wait3A_55 : memref<2x1280xi32, #tpu.memory_space<hbm>>) dst(%arg5 : memref<2x1280xi32, #tpu.memory_space<vmem>>)
      %dma_start3A_56 = arith.constant 0 : i32
      %dma_start3A_57 = arith.constant 0 : i32
      %dma_start3A_58 = tpu.memref_slice %arg5[%dma_start3A_56, %dma_start3A_57] : memref<2x1280xi32, #tpu.memory_space<vmem>> -> memref<1x1280xi32, #tpu.memory_space<vmem>>
      %dma_start3A_59 = tpu.memref_squeeze %dma_start3A_58 : memref<1x1280xi32, #tpu.memory_space<vmem>> -> memref<1280xi32, #tpu.memory_space<vmem>>
      %dma_start3A_60 = arith.constant 0 : i32
      %dma_start3A_61 = arith.constant 0 : i32
      %dma_start3A_62 = tpu.memref_slice %arg12[%dma_start3A_60, %dma_start3A_61] : memref<100000x8xi32, #tpu.memory_space<vmem_shared>> -> memref<100000x8xi32, #tpu.memory_space<vmem_shared>>
      tpu.enqueue_indirect_dma source(%dma_start3A_62 : memref<100000x8xi32, #tpu.memory_space<vmem_shared>>) target(%arg7 : memref<1280x8xi32, #tpu.memory_space<vmem>>) offsets(%dma_start3A_59 : memref<1280xi32, #tpu.memory_space<vmem>>) semaphore(%arg13 : memref<!tpu.dma_semaphore, #tpu.memory_space<semaphore_mem>>)
      %dma_start3A_63 = arith.constant 1 : i32
      %dma_start3A_64 = arith.constant 0 : i32
      %dma_start3A_65 = tpu.memref_slice %arg5[%dma_start3A_63, %dma_start3A_64] : memref<2x1280xi32, #tpu.memory_space<vmem>> -> memref<1x1280xi32, #tpu.memory_space<vmem>>
      %dma_start3A_66 = tpu.memref_squeeze %dma_start3A_65 : memref<1x1280xi32, #tpu.memory_space<vmem>> -> memref<1280xi32, #tpu.memory_space<vmem>>
      %dma_start3A_67 = arith.constant 0 : i32
      %dma_start3A_68 = arith.constant 0 : i32
      %dma_start3A_69 = tpu.memref_slice %arg12[%dma_start3A_67, %dma_start3A_68] : memref<100000x8xi32, #tpu.memory_space<vmem_shared>> -> memref<100000x8xi32, #tpu.memory_space<vmem_shared>>
      tpu.enqueue_indirect_dma source(%dma_start3A_69 : memref<100000x8xi32, #tpu.memory_space<vmem_shared>>) target(%arg8 : memref<1280x8xi32, #tpu.memory_space<vmem>>) offsets(%dma_start3A_66 : memref<1280xi32, #tpu.memory_space<vmem>>) semaphore(%arg13 : memref<!tpu.dma_semaphore, #tpu.memory_space<semaphore_mem>>)
      %dma_wait3A_70 = arith.constant 0 : i32
      %dma_wait3A_71 = arith.constant 0 : i32
      %dma_wait3A_72 = tpu.memref_slice %arg5[%dma_wait3A_70, %dma_wait3A_71] : memref<2x1280xi32, #tpu.memory_space<vmem>> -> memref<1x1280xi32, #tpu.memory_space<vmem>>
      %dma_wait3A_73 = tpu.memref_squeeze %dma_wait3A_72 : memref<1x1280xi32, #tpu.memory_space<vmem>> -> memref<1280xi32, #tpu.memory_space<vmem>>
      %dma_wait3A_74 = arith.constant 0 : i32
      %dma_wait3A_75 = arith.constant 0 : i32
      %dma_wait3A_76 = tpu.memref_slice %arg12[%dma_wait3A_74, %dma_wait3A_75] : memref<100000x8xi32, #tpu.memory_space<vmem_shared>> -> memref<100000x8xi32, #tpu.memory_space<vmem_shared>>
      tpu.wait_indirect_dma semaphore(%arg13 : memref<!tpu.dma_semaphore, #tpu.memory_space<semaphore_mem>>) src(%dma_wait3A_76 : memref<100000x8xi32, #tpu.memory_space<vmem_shared>>) dst(%arg7 : memref<1280x8xi32, #tpu.memory_space<vmem>>)
      %dma_wait3A_77 = arith.constant 1 : i32
      %dma_wait3A_78 = arith.constant 0 : i32
      %dma_wait3A_79 = tpu.memref_slice %arg5[%dma_wait3A_77, %dma_wait3A_78] : memref<2x1280xi32, #tpu.memory_space<vmem>> -> memref<1x1280xi32, #tpu.memory_space<vmem>>
      %dma_wait3A_80 = tpu.memref_squeeze %dma_wait3A_79 : memref<1x1280xi32, #tpu.memory_space<vmem>> -> memref<1280xi32, #tpu.memory_space<vmem>>
      %dma_wait3A_81 = arith.constant 0 : i32
      %dma_wait3A_82 = arith.constant 0 : i32
      %dma_wait3A_83 = tpu.memref_slice %arg12[%dma_wait3A_81, %dma_wait3A_82] : memref<100000x8xi32, #tpu.memory_space<vmem_shared>> -> memref<100000x8xi32, #tpu.memory_space<vmem_shared>>
      tpu.wait_indirect_dma semaphore(%arg13 : memref<!tpu.dma_semaphore, #tpu.memory_space<semaphore_mem>>) src(%dma_wait3A_83 : memref<100000x8xi32, #tpu.memory_space<vmem_shared>>) dst(%arg8 : memref<1280x8xi32, #tpu.memory_space<vmem>>)
      %get3A = arith.constant 0 : index
      %get3A_84 = tpu.vector_load %arg11[%get3A] {strides = array<i32>} : memref<16xf32, #tpu.memory_space<vmem>>, vector<16xf32>,
      %broadcast_in_dim3A_85 = arith.constant 0.000000e+00 : f32
      %broadcast_in_dim3A_86 = vector.broadcast %broadcast_in_dim3A_85 : f32 to vector<16xf32>
      %iota3A = tpu.iota {dimensions = array<i32: 0>} : vector<16xi32>
      %lt3A_87 = arith.constant 8 : i32
      %lt3A_88 = vector.broadcast %lt3A_87 : i32 to vector<16xi32>
      %lt3A_89 = arith.cmpi slt, %iota3A, %lt3A_88 : vector<16xi32>
      %jit3A = arith.constant 0 : i32
      %jit3A_90 = arith.constant 1 : i32
      %broadcast_in_dim3A_91 = vector.broadcast %jit3A : i32 to vector<16xi32>
      %broadcast_in_dim3A_92 = vector.broadcast %jit3A_90 : i32 to vector<16xi32>
      %select_n3A = arith.select %lt3A_89, %broadcast_in_dim3A_91, %broadcast_in_dim3A_92 : vector<16xi1>, vector<16xi32>
      %lt3A_93 = arith.constant 8 : i32
      %lt3A_94 = vector.broadcast %lt3A_93 : i32 to vector<16xi32>
      %lt3A_95 = arith.cmpi slt, %iota3A, %lt3A_94 : vector<16xi32>
      %sub3A = arith.constant 8 : i32
      %sub3A_96 = vector.broadcast %sub3A : i32 to vector<16xi32>
      %sub3A_97 = arith.subi %iota3A, %sub3A_96 : vector<16xi32>
      %select_n3A_98 = arith.select %lt3A_95, %iota3A, %sub3A_97 : vector<16xi1>, vector<16xi32>
      %broadcast_in_dim3A_99 = arith.constant 0.000000e+00 : f32
      %broadcast_in_dim3A_100 = vector.broadcast %broadcast_in_dim3A_99 : f32 to vector<16xf32>
      %broadcast_in_dim3A_101 = arith.constant 0.000000e+00 : f32
      %broadcast_in_dim3A_102 = vector.broadcast %broadcast_in_dim3A_101 : f32 to vector<16xf32>
      %broadcast_in_dim3A_103 = arith.constant 0.000000e+00 : f32
      %broadcast_in_dim3A_104 = vector.broadcast %broadcast_in_dim3A_103 : f32 to vector<16xf32>
      %broadcast_in_dim3A_105 = arith.constant 0.000000e+00 : f32
      %broadcast_in_dim3A_106 = vector.broadcast %broadcast_in_dim3A_105 : f32 to vector<16xf32>
      %broadcast_in_dim3A_107 = arith.constant 0.000000e+00 : f32
      %broadcast_in_dim3A_108 = vector.broadcast %broadcast_in_dim3A_107 : f32 to vector<16xf32>
      %broadcast_in_dim3A_109 = arith.constant 0.000000e+00 : f32
      %broadcast_in_dim3A_110 = vector.broadcast %broadcast_in_dim3A_109 : f32 to vector<16xf32>
      %broadcast_in_dim3A_111 = arith.constant 0.000000e+00 : f32
      %broadcast_in_dim3A_112 = vector.broadcast %broadcast_in_dim3A_111 : f32 to vector<16xf32>
      %broadcast_in_dim3A_113 = arith.constant 0.000000e+00 : f32
      %broadcast_in_dim3A_114 = vector.broadcast %broadcast_in_dim3A_113 : f32 to vector<16xf32>
      %scan3A_115 = arith.constant -65536 : i32
      %scan3A_116 = arith.constant 0 : i32
      %scan3A_117 = arith.constant 160 : i32
      %scan3A_118 = arith.addi %scan3A_116, %scan3A_117 : i32
      %scan3A_119 = arith.constant 1 : i32
      %scan3A_120:8 = scf.for %scan3A_133 = %scan3A_116 to %scan3A_118 step %scan3A_119 iter_args(%scan3A_134 = %broadcast_in_dim3A_100, %scan3A_135 = %broadcast_in_dim3A_102, %scan3A_136 = %broadcast_in_dim3A_104, %scan3A_137 = %broadcast_in_dim3A_106, %scan3A_138 = %broadcast_in_dim3A_108, %scan3A_139 = %broadcast_in_dim3A_110, %scan3A_140 = %broadcast_in_dim3A_112, %scan3A_141 = %broadcast_in_dim3A_114) -> (vector<16xf32>, vector<16xf32>, vector<16xf32>, vector<16xf32>, vector<16xf32>, vector<16xf32>, vector<16xf32>, vector<16xf32>)  : i32 {
        %mul3A_142 = arith.constant 4 : i32
        %mul3A_143 = arith.muli %scan3A_133, %mul3A_142 : i32
        %add3A_144 = arith.constant 0 : i32
        %add3A_145 = arith.addi %mul3A_143, %add3A_144 : i32
        %mul3A_146 = arith.constant 2 : i32
        %mul3A_147 = arith.muli %mul3A_146, %add3A_145 : i32
        %add3A_148 = vector.broadcast %mul3A_147 : i32 to vector<16xi32>
        %add3A_149 = arith.addi %select_n3A, %add3A_148 : vector<16xi32>
        %gather3A = tpu.vector_load_idx %arg7[%add3A_149, %select_n3A_98] : memref<1280x8xi32, #tpu.memory_space<vmem>>[vector<16xi32>, vector<16xi32>], vector<16xi32>,
        %gather3A_150 = tpu.vector_load_idx %arg8[%add3A_149, %select_n3A_98] : memref<1280x8xi32, #tpu.memory_space<vmem>>[vector<16xi32>, vector<16xi32>], vector<16xi32>,
        %shift_left3A = arith.constant 16 : i32
        %shift_left3A_151 = vector.broadcast %shift_left3A : i32 to vector<16xi32>
        %shift_left3A_152 = arith.shli %gather3A, %shift_left3A_151 : vector<16xi32>
        %bitcast3A = vector.bitcast %shift_left3A_152 : vector<16xi32> to vector<16xf32>
        %and3A = vector.broadcast %scan3A_115 : i32 to vector<16xi32>
        %and3A_153 = arith.andi %gather3A, %and3A : vector<16xi32>
        %bitcast3A_154 = vector.bitcast %and3A_153 : vector<16xi32> to vector<16xf32>
        %shift_left3A_155 = arith.constant 16 : i32
        %shift_left3A_156 = vector.broadcast %shift_left3A_155 : i32 to vector<16xi32>
        %shift_left3A_157 = arith.shli %gather3A_150, %shift_left3A_156 : vector<16xi32>
        %bitcast3A_158 = vector.bitcast %shift_left3A_157 : vector<16xi32> to vector<16xf32>
        %and3A_159 = vector.broadcast %scan3A_115 : i32 to vector<16xi32>
        %and3A_160 = arith.andi %gather3A_150, %and3A_159 : vector<16xi32>
        %bitcast3A_161 = vector.bitcast %and3A_160 : vector<16xi32> to vector<16xf32>
        %sub3A_162 = arith.constant 1.000000e+00 : f32
        %sub3A_163 = vector.broadcast %sub3A_162 : f32 to vector<16xf32>
        %sub3A_164 = arith.subf %sub3A_163, %bitcast3A_158 : vector<16xf32>
        %mul3A_165 = arith.mulf %bitcast3A, %sub3A_164 : vector<16xf32>
        %add3A_166 = arith.addf %scan3A_134, %mul3A_165 : vector<16xf32>
        %sub3A_167 = arith.constant 1.000000e+00 : f32
        %sub3A_168 = vector.broadcast %sub3A_167 : f32 to vector<16xf32>
        %sub3A_169 = arith.subf %sub3A_168, %bitcast3A_161 : vector<16xf32>
        %mul3A_170 = arith.mulf %bitcast3A_154, %sub3A_169 : vector<16xf32>
        %add3A_171 = arith.addf %scan3A_135, %mul3A_170 : vector<16xf32>
        %add3A_172 = arith.constant 1 : i32
        %add3A_173 = arith.addi %mul3A_143, %add3A_172 : i32
        %mul3A_174 = arith.constant 2 : i32
        %mul3A_175 = arith.muli %mul3A_174, %add3A_173 : i32
        %add3A_176 = vector.broadcast %mul3A_175 : i32 to vector<16xi32>
        %add3A_177 = arith.addi %select_n3A, %add3A_176 : vector<16xi32>
        %gather3A_178 = tpu.vector_load_idx %arg7[%add3A_177, %select_n3A_98] : memref<1280x8xi32, #tpu.memory_space<vmem>>[vector<16xi32>, vector<16xi32>], vector<16xi32>,
        %gather3A_179 = tpu.vector_load_idx %arg8[%add3A_177, %select_n3A_98] : memref<1280x8xi32, #tpu.memory_space<vmem>>[vector<16xi32>, vector<16xi32>], vector<16xi32>,
        %shift_left3A_180 = arith.constant 16 : i32
        %shift_left3A_181 = vector.broadcast %shift_left3A_180 : i32 to vector<16xi32>
        %shift_left3A_182 = arith.shli %gather3A_178, %shift_left3A_181 : vector<16xi32>
        %bitcast3A_183 = vector.bitcast %shift_left3A_182 : vector<16xi32> to vector<16xf32>
        %and3A_184 = vector.broadcast %scan3A_115 : i32 to vector<16xi32>
        %and3A_185 = arith.andi %gather3A_178, %and3A_184 : vector<16xi32>
        %bitcast3A_186 = vector.bitcast %and3A_185 : vector<16xi32> to vector<16xf32>
        %shift_left3A_187 = arith.constant 16 : i32
        %shift_left3A_188 = vector.broadcast %shift_left3A_187 : i32 to vector<16xi32>
        %shift_left3A_189 = arith.shli %gather3A_179, %shift_left3A_188 : vector<16xi32>
        %bitcast3A_190 = vector.bitcast %shift_left3A_189 : vector<16xi32> to vector<16xf32>
        %and3A_191 = vector.broadcast %scan3A_115 : i32 to vector<16xi32>
        %and3A_192 = arith.andi %gather3A_179, %and3A_191 : vector<16xi32>
        %bitcast3A_193 = vector.bitcast %and3A_192 : vector<16xi32> to vector<16xf32>
        %sub3A_194 = arith.constant 1.000000e+00 : f32
        %sub3A_195 = vector.broadcast %sub3A_194 : f32 to vector<16xf32>
        %sub3A_196 = arith.subf %sub3A_195, %bitcast3A_190 : vector<16xf32>
        %mul3A_197 = arith.mulf %bitcast3A_183, %sub3A_196 : vector<16xf32>
        %add3A_198 = arith.addf %scan3A_136, %mul3A_197 : vector<16xf32>
        %sub3A_199 = arith.constant 1.000000e+00 : f32
        %sub3A_200 = vector.broadcast %sub3A_199 : f32 to vector<16xf32>
        %sub3A_201 = arith.subf %sub3A_200, %bitcast3A_193 : vector<16xf32>
        %mul3A_202 = arith.mulf %bitcast3A_186, %sub3A_201 : vector<16xf32>
        %add3A_203 = arith.addf %scan3A_137, %mul3A_202 : vector<16xf32>
        %add3A_204 = arith.constant 2 : i32
        %add3A_205 = arith.addi %mul3A_143, %add3A_204 : i32
        %mul3A_206 = arith.constant 2 : i32
        %mul3A_207 = arith.muli %mul3A_206, %add3A_205 : i32
        %add3A_208 = vector.broadcast %mul3A_207 : i32 to vector<16xi32>
        %add3A_209 = arith.addi %select_n3A, %add3A_208 : vector<16xi32>
        %gather3A_210 = tpu.vector_load_idx %arg7[%add3A_209, %select_n3A_98] : memref<1280x8xi32, #tpu.memory_space<vmem>>[vector<16xi32>, vector<16xi32>], vector<16xi32>,
        %gather3A_211 = tpu.vector_load_idx %arg8[%add3A_209, %select_n3A_98] : memref<1280x8xi32, #tpu.memory_space<vmem>>[vector<16xi32>, vector<16xi32>], vector<16xi32>,
        %shift_left3A_212 = arith.constant 16 : i32
        %shift_left3A_213 = vector.broadcast %shift_left3A_212 : i32 to vector<16xi32>
        %shift_left3A_214 = arith.shli %gather3A_210, %shift_left3A_213 : vector<16xi32>
        %bitcast3A_215 = vector.bitcast %shift_left3A_214 : vector<16xi32> to vector<16xf32>
        %and3A_216 = vector.broadcast %scan3A_115 : i32 to vector<16xi32>
        %and3A_217 = arith.andi %gather3A_210, %and3A_216 : vector<16xi32>
        %bitcast3A_218 = vector.bitcast %and3A_217 : vector<16xi32> to vector<16xf32>
        %shift_left3A_219 = arith.constant 16 : i32
        %shift_left3A_220 = vector.broadcast %shift_left3A_219 : i32 to vector<16xi32>
        %shift_left3A_221 = arith.shli %gather3A_211, %shift_left3A_220 : vector<16xi32>
        %bitcast3A_222 = vector.bitcast %shift_left3A_221 : vector<16xi32> to vector<16xf32>
        %and3A_223 = vector.broadcast %scan3A_115 : i32 to vector<16xi32>
        %and3A_224 = arith.andi %gather3A_211, %and3A_223 : vector<16xi32>
        %bitcast3A_225 = vector.bitcast %and3A_224 : vector<16xi32> to vector<16xf32>
        %sub3A_226 = arith.constant 1.000000e+00 : f32
        %sub3A_227 = vector.broadcast %sub3A_226 : f32 to vector<16xf32>
        %sub3A_228 = arith.subf %sub3A_227, %bitcast3A_222 : vector<16xf32>
        %mul3A_229 = arith.mulf %bitcast3A_215, %sub3A_228 : vector<16xf32>
        %add3A_230 = arith.addf %scan3A_138, %mul3A_229 : vector<16xf32>
        %sub3A_231 = arith.constant 1.000000e+00 : f32
        %sub3A_232 = vector.broadcast %sub3A_231 : f32 to vector<16xf32>
        %sub3A_233 = arith.subf %sub3A_232, %bitcast3A_225 : vector<16xf32>
        %mul3A_234 = arith.mulf %bitcast3A_218, %sub3A_233 : vector<16xf32>
        %add3A_235 = arith.addf %scan3A_139, %mul3A_234 : vector<16xf32>
        %add3A_236 = arith.constant 3 : i32
        %add3A_237 = arith.addi %mul3A_143, %add3A_236 : i32
        %mul3A_238 = arith.constant 2 : i32
        %mul3A_239 = arith.muli %mul3A_238, %add3A_237 : i32
        %add3A_240 = vector.broadcast %mul3A_239 : i32 to vector<16xi32>
        %add3A_241 = arith.addi %select_n3A, %add3A_240 : vector<16xi32>
        %gather3A_242 = tpu.vector_load_idx %arg7[%add3A_241, %select_n3A_98] : memref<1280x8xi32, #tpu.memory_space<vmem>>[vector<16xi32>, vector<16xi32>], vector<16xi32>,
        %gather3A_243 = tpu.vector_load_idx %arg8[%add3A_241, %select_n3A_98] : memref<1280x8xi32, #tpu.memory_space<vmem>>[vector<16xi32>, vector<16xi32>], vector<16xi32>,
        %shift_left3A_244 = arith.constant 16 : i32
        %shift_left3A_245 = vector.broadcast %shift_left3A_244 : i32 to vector<16xi32>
        %shift_left3A_246 = arith.shli %gather3A_242, %shift_left3A_245 : vector<16xi32>
        %bitcast3A_247 = vector.bitcast %shift_left3A_246 : vector<16xi32> to vector<16xf32>
        %and3A_248 = vector.broadcast %scan3A_115 : i32 to vector<16xi32>
        %and3A_249 = arith.andi %gather3A_242, %and3A_248 : vector<16xi32>
        %bitcast3A_250 = vector.bitcast %and3A_249 : vector<16xi32> to vector<16xf32>
        %shift_left3A_251 = arith.constant 16 : i32
        %shift_left3A_252 = vector.broadcast %shift_left3A_251 : i32 to vector<16xi32>
        %shift_left3A_253 = arith.shli %gather3A_243, %shift_left3A_252 : vector<16xi32>
        %bitcast3A_254 = vector.bitcast %shift_left3A_253 : vector<16xi32> to vector<16xf32>
        %and3A_255 = vector.broadcast %scan3A_115 : i32 to vector<16xi32>
        %and3A_256 = arith.andi %gather3A_243, %and3A_255 : vector<16xi32>
        %bitcast3A_257 = vector.bitcast %and3A_256 : vector<16xi32> to vector<16xf32>
        %sub3A_258 = arith.constant 1.000000e+00 : f32
        %sub3A_259 = vector.broadcast %sub3A_258 : f32 to vector<16xf32>
        %sub3A_260 = arith.subf %sub3A_259, %bitcast3A_254 : vector<16xf32>
        %mul3A_261 = arith.mulf %bitcast3A_247, %sub3A_260 : vector<16xf32>
        %add3A_262 = arith.addf %scan3A_140, %mul3A_261 : vector<16xf32>
        %sub3A_263 = arith.constant 1.000000e+00 : f32
        %sub3A_264 = vector.broadcast %sub3A_263 : f32 to vector<16xf32>
        %sub3A_265 = arith.subf %sub3A_264, %bitcast3A_257 : vector<16xf32>
        %mul3A_266 = arith.mulf %bitcast3A_250, %sub3A_265 : vector<16xf32>
        %add3A_267 = arith.addf %scan3A_141, %mul3A_266 : vector<16xf32>
        scf.yield %add3A_166, %add3A_171, %add3A_198, %add3A_203, %add3A_230, %add3A_235, %add3A_262, %add3A_267 : vector<16xf32>, vector<16xf32>, vector<16xf32>, vector<16xf32>, vector<16xf32>, vector<16xf32>, vector<16xf32>, vector<16xf32>
      }
      %scan3A_121 = arith.constant 160 : i32
      %add3A_122 = arith.addf %scan3A_120#0, %scan3A_120#1 : vector<16xf32>
      %add3A_123 = arith.addf %add3A_122, %scan3A_120#2 : vector<16xf32>
      %add3A_124 = arith.addf %add3A_123, %scan3A_120#3 : vector<16xf32>
      %add3A_125 = arith.addf %add3A_124, %scan3A_120#4 : vector<16xf32>
      %add3A_126 = arith.addf %add3A_125, %scan3A_120#5 : vector<16xf32>
      %add3A_127 = arith.addf %add3A_126, %scan3A_120#6 : vector<16xf32>
      %add3A_128 = arith.addf %add3A_127, %scan3A_120#7 : vector<16xf32>
      %add3A_129 = arith.addf %broadcast_in_dim3A_86, %add3A_128 : vector<16xf32>
      %add3A_130 = arith.addf %get3A_84, %add3A_129 : vector<16xf32>
      %swap3A_131 = arith.constant 0 : index
      %swap3A_132 = tpu.vector_load %arg11[%swap3A_131] {strides = array<i32>} : memref<16xf32, #tpu.memory_space<vmem>>, vector<16xf32>,
      tpu.vector_store %arg11[%swap3A_131], %add3A_130 {strides = array<i32>} : memref<16xf32, #tpu.memory_space<vmem>>, vector<16xf32>,
    } else {
    }
    "tpu.region"() ({
      %run_scoped3A = tpu.sem_alloc : memref<!tpu.dma_semaphore, #tpu.memory_space<semaphore_mem>>
      %dma_start3A_42 = arith.constant 0 : i32
      %dma_start3A_43 = tpu.memref_slice %arg4[%add3A, %dma_start3A_42] : memref<32x16xf32, #tpu.memory_space<hbm>> -> memref<1x16xf32, #tpu.memory_space<hbm>>
      %dma_start3A_44 = tpu.memref_squeeze %dma_start3A_43 : memref<1x16xf32, #tpu.memory_space<hbm>> -> memref<16xf32, #tpu.memory_space<hbm>>
      %dma_start3A_45 = arith.constant 0 : i32
      %dma_start3A_46 = tpu.memref_slice %arg4[%add3A, %dma_start3A_45] : memref<32x16xf32, #tpu.memory_space<hbm>> -> memref<1x16xf32, #tpu.memory_space<hbm>>
      %dma_start3A_47 = tpu.memref_squeeze %dma_start3A_46 : memref<1x16xf32, #tpu.memory_space<hbm>> -> memref<16xf32, #tpu.memory_space<hbm>>
      tpu.enqueue_dma source(%arg11 : memref<16xf32, #tpu.memory_space<vmem>>) target(%dma_start3A_47 : memref<16xf32, #tpu.memory_space<hbm>>) target_semaphore(%run_scoped3A : memref<!tpu.dma_semaphore, #tpu.memory_space<semaphore_mem>>)
      %dma_wait3A_48 = arith.constant 0 : i32
      %dma_wait3A_49 = tpu.memref_slice %arg4[%add3A, %dma_wait3A_48] : memref<32x16xf32, #tpu.memory_space<hbm>> -> memref<1x16xf32, #tpu.memory_space<hbm>>
      %dma_wait3A_50 = tpu.memref_squeeze %dma_wait3A_49 : memref<1x16xf32, #tpu.memory_space<hbm>> -> memref<16xf32, #tpu.memory_space<hbm>>
      %dma_wait3A_51 = arith.constant 0 : i32
      %dma_wait3A_52 = tpu.memref_slice %arg4[%add3A, %dma_wait3A_51] : memref<32x16xf32, #tpu.memory_space<hbm>> -> memref<1x16xf32, #tpu.memory_space<hbm>>
      %dma_wait3A_53 = tpu.memref_squeeze %dma_wait3A_52 : memref<1x16xf32, #tpu.memory_space<hbm>> -> memref<16xf32, #tpu.memory_space<hbm>>
      tpu.wait_dma2 semaphore(%run_scoped3A : memref<!tpu.dma_semaphore, #tpu.memory_space<semaphore_mem>>) src(%arg11 : memref<16xf32, #tpu.memory_space<vmem>>) dst(%dma_wait3A_53 : memref<16xf32, #tpu.memory_space<hbm>>)
      tpu.yield
    }) : () -> ()
    return
  }
}

module attributes {stable_mosaic.version = 14 : i64} {
  func.func @_prep_body(%arg0: i32, %arg1: memref<16x2048xf32, #tpu.memory_space<vmem>>, %arg2: memref<2048x8xi32, #tpu.memory_space<vmem>>, %arg3: memref<1x1xf32, #tpu.memory_space<smem>>, %arg4: memref<1x16xf32, #tpu.memory_space<vmem>>) attributes {dimension_semantics = [#tpu.dimension_semantics<arbitrary>], iteration_bounds = array<i64: 49>, scalar_prefetch = 0 : i64, scratch_operands = 1 : i64, tpu.core_type = #tpu.core_type<tc>, window_params = [{transform_indices = @transform_0, window_bounds = array<i64: 16, 2048>}, {transform_indices = @transform_1, window_bounds = array<i64: 2048, 8>}, {transform_indices = @transform_2, window_bounds = array<i64: 1, 1>}]} {
    %get3A = arith.constant 0 : index
    %get3A_0 = arith.constant 0 : index
    %get3A_1 = vector.load %arg1[%get3A, %get3A_0] : memref<16x2048xf32, #tpu.memory_space<vmem>>, vector<16x2048xf32>
    %transpose3A = tpu.transpose %get3A_1, [1, 0] : vector<16x2048xf32> -> vector<2048x16xf32>
    %eq3A = arith.constant 0 : i32
    %eq3A_2 = arith.cmpi eq, %arg0, %eq3A : i32
    %convert_element_type3A = arith.extui %eq3A_2 : i1 to i32
    %cond3A = arith.constant 0 : i32
    %cond3A_3 = arith.cmpi ne, %convert_element_type3A, %cond3A : i32
    scf.if %cond3A_3 {
      %broadcast_in_dim3A_57 = arith.constant 0.000000e+00 : f32
      %broadcast_in_dim3A_58 = vector.broadcast %broadcast_in_dim3A_57 : f32 to vector<1x16xf32>
      %swap3A_59 = arith.constant 0 : index
      %swap3A_60 = arith.constant 0 : index
      %swap3A_61 = vector.load %arg4[%swap3A_59, %swap3A_60] : memref<1x16xf32, #tpu.memory_space<vmem>>, vector<1x16xf32>
      tpu.vector_store %arg4[%swap3A_59, %swap3A_60], %broadcast_in_dim3A_58 {strides = array<i32>} : memref<1x16xf32, #tpu.memory_space<vmem>>, vector<1x16xf32>,
    } else {
    }
    %iota3A = tpu.iota {dimensions = array<i32: 0>} : vector<2048x1xi32>
    %mul3A = arith.constant 2048 : i32
    %mul3A_4 = arith.muli %arg0, %mul3A : i32
    %add3A = vector.broadcast %mul3A_4 : i32 to vector<2048x1xi32>
    %add3A_5 = arith.addi %iota3A, %add3A : vector<2048x1xi32>
    %lt3A = arith.constant 100000 : i32
    %lt3A_6 = vector.broadcast %lt3A : i32 to vector<2048x1xi32>
    %lt3A_7 = arith.cmpi slt, %add3A_5, %lt3A_6 : vector<2048x1xi32>
    %jit3A = arith.constant 0.000000e+00 : f32
    %broadcast_in_dim3A = vector.shape_cast %lt3A_7 : vector<2048x1xi1> to vector<2048x1xi1>
    %broadcast_in_dim3A_8 = vector.broadcast %broadcast_in_dim3A : vector<2048x1xi1> to vector<2048x16xi1>
    %broadcast_in_dim3A_9 = vector.broadcast %jit3A : f32 to vector<2048x16xf32>
    %select_n3A = arith.select %broadcast_in_dim3A_8, %transpose3A, %broadcast_in_dim3A_9 : vector<2048x16xi1>, vector<2048x16xf32>
    %iota3A_10 = tpu.iota {dimensions = array<i32: 0>} : vector<16x8xi32>
    %iota3A_11 = tpu.iota {dimensions = array<i32: 1>} : vector<16x8xi32>
    %mul3A_12 = arith.constant 2 : i32
    %mul3A_13 = vector.broadcast %mul3A_12 : i32 to vector<16x8xi32>
    %mul3A_14 = arith.muli %mul3A_13, %iota3A_11 : vector<16x8xi32>
    %eq3A_15 = arith.cmpi eq, %iota3A_10, %mul3A_14 : vector<16x8xi32>
    %convert_element_type3A_16 = arith.extui %eq3A_15 : vector<16x8xi1> to vector<16x8xi32>
    %convert_element_type3A_17 = arith.sitofp %convert_element_type3A_16 : vector<16x8xi32> to vector<16x8xf32>
    %mul3A_18 = arith.constant 2 : i32
    %mul3A_19 = vector.broadcast %mul3A_18 : i32 to vector<16x8xi32>
    %mul3A_20 = arith.muli %mul3A_19, %iota3A_11 : vector<16x8xi32>
    %add3A_21 = arith.constant 1 : i32
    %add3A_22 = vector.broadcast %add3A_21 : i32 to vector<16x8xi32>
    %add3A_23 = arith.addi %mul3A_20, %add3A_22 : vector<16x8xi32>
    %eq3A_24 = arith.cmpi eq, %iota3A_10, %add3A_23 : vector<16x8xi32>
    %convert_element_type3A_25 = arith.extui %eq3A_24 : vector<16x8xi1> to vector<16x8xi32>
    %convert_element_type3A_26 = arith.sitofp %convert_element_type3A_25 : vector<16x8xi32> to vector<16x8xf32>
    %dot_general3A = arith.constant dense<0.000000e+00> : vector<2048x8xf32>
    %dot_general3A_27 = tpu.matmul %select_n3A, %convert_element_type3A_17, %dot_general3A {dimension_numbers = #tpu.dot_dimension_numbers<[1], [0], [0], [1], [0, 0, 1, 1], [], []>, transpose_lhs_hint = false} : vector<2048x16xf32>, vector<16x8xf32>, vector<2048x8xf32> -> vector<2048x8xf32>
    %bitcast_convert_type3A = tpu.bitcast %dot_general3A_27 : vector<2048x8xf32> -> vector<2048x8xi32>
    %dot_general3A_28 = arith.constant dense<0.000000e+00> : vector<2048x8xf32>
    %dot_general3A_29 = tpu.matmul %select_n3A, %convert_element_type3A_26, %dot_general3A_28 {dimension_numbers = #tpu.dot_dimension_numbers<[1], [0], [0], [1], [0, 0, 1, 1], [], []>, transpose_lhs_hint = false} : vector<2048x16xf32>, vector<16x8xf32>, vector<2048x8xf32> -> vector<2048x8xf32>
    %bitcast_convert_type3A_30 = tpu.bitcast %dot_general3A_29 : vector<2048x8xf32> -> vector<2048x8xi32>
    %add3A_31 = arith.constant 32768 : i32
    %add3A_32 = vector.broadcast %add3A_31 : i32 to vector<2048x8xi32>
    %add3A_33 = arith.addi %bitcast_convert_type3A, %add3A_32 : vector<2048x8xi32>
    %shift_right_logical3A = arith.constant 16 : i32
    %shift_right_logical3A_34 = vector.broadcast %shift_right_logical3A : i32 to vector<2048x8xi32>
    %shift_right_logical3A_35 = arith.shrui %add3A_33, %shift_right_logical3A_34 : vector<2048x8xi32>
    %add3A_36 = arith.constant 32768 : i32
    %add3A_37 = vector.broadcast %add3A_36 : i32 to vector<2048x8xi32>
    %add3A_38 = arith.addi %bitcast_convert_type3A_30, %add3A_37 : vector<2048x8xi32>
    %and3A = arith.constant -65536 : i32
    %and3A_39 = vector.broadcast %and3A : i32 to vector<2048x8xi32>
    %and3A_40 = arith.andi %add3A_38, %and3A_39 : vector<2048x8xi32>
    %or3A = arith.ori %shift_right_logical3A_35, %and3A_40 : vector<2048x8xi32>
    %swap3A = arith.constant 0 : index
    %swap3A_41 = arith.constant 0 : index
    %swap3A_42 = vector.load %arg2[%swap3A, %swap3A_41] : memref<2048x8xi32, #tpu.memory_space<vmem>>, vector<2048x8xi32>
    tpu.vector_store %arg2[%swap3A, %swap3A_41], %or3A {strides = array<i32>} : memref<2048x8xi32, #tpu.memory_space<vmem>>, vector<2048x8xi32>,
    %get3A_43 = arith.constant 0 : index
    %get3A_44 = arith.constant 0 : index
    %get3A_45 = vector.load %arg4[%get3A_43, %get3A_44] : memref<1x16xf32, #tpu.memory_space<vmem>>, vector<1x16xf32>
    %reduce_sum3A = arith.constant dense<0.000000e+00> : vector<16xf32>
    %reduce_sum3A_46 = vector.multi_reduction <add>, %select_n3A, %reduce_sum3A [0] : vector<2048x16xf32> to vector<16xf32>
    %broadcast_in_dim3A_47 = vector.shape_cast %reduce_sum3A_46 : vector<16xf32> to vector<1x16xf32>
    %add3A_48 = arith.addf %get3A_45, %broadcast_in_dim3A_47 : vector<1x16xf32>
    %swap3A_49 = arith.constant 0 : index
    %swap3A_50 = arith.constant 0 : index
    %swap3A_51 = vector.load %arg4[%swap3A_49, %swap3A_50] : memref<1x16xf32, #tpu.memory_space<vmem>>, vector<1x16xf32>
    tpu.vector_store %arg4[%swap3A_49, %swap3A_50], %add3A_48 {strides = array<i32>} : memref<1x16xf32, #tpu.memory_space<vmem>>, vector<1x16xf32>,
    %eq3A_52 = arith.constant 48 : i32
    %eq3A_53 = arith.cmpi eq, %arg0, %eq3A_52 : i32
    %convert_element_type3A_54 = arith.extui %eq3A_53 : i1 to i32
    %cond3A_55 = arith.constant 0 : i32
    %cond3A_56 = arith.cmpi ne, %convert_element_type3A_54, %cond3A_55 : i32
    scf.if %cond3A_56 {
      %get3A_57 = arith.constant 0 : index
      %get3A_58 = arith.constant 0 : index
      %get3A_59 = vector.load %arg4[%get3A_57, %get3A_58] : memref<1x16xf32, #tpu.memory_space<vmem>>, vector<1x16xf32>
      %div3A = arith.constant 1.000000e+05 : f32
      %div3A_60 = arith.constant 1.600000e+01 : f32
      %div3A_61 = arith.divf %div3A, %div3A_60 : f32
      %sub3A = vector.broadcast %div3A_61 : f32 to vector<1x16xf32>
      %sub3A_62 = arith.subf %get3A_59, %sub3A : vector<1x16xf32>
      %mul3A_63 = arith.mulf %sub3A_62, %sub3A_62 : vector<1x16xf32>
      %reduce_sum3A_64 = vector.shape_cast %mul3A_63 : vector<1x16xf32> to vector<1x1x16xf32>
      %reduce_sum3A_65 = arith.constant dense<0.000000e+00> : vector<1xf32>
      %reduce_sum3A_66 = vector.multi_reduction <add>, %reduce_sum3A_64, %reduce_sum3A_65 [1, 2] : vector<1x1x16xf32> to vector<1xf32>
      %reduce_sum3A_67 = vector.shape_cast %reduce_sum3A_66 : vector<1xf32> to vector<1x1x1xf32>
      %reduce_sum3A_68 = vector.extract %reduce_sum3A_67[0, 0, 0] : f32 from vector<1x1x1xf32>
      %swap3A_69 = arith.constant 0 : index
      %swap3A_70 = arith.constant 0 : index
      %swap3A_71 = memref.load %arg3[%swap3A_69, %swap3A_70] : memref<1x1xf32, #tpu.memory_space<smem>>
      memref.store %reduce_sum3A_68, %arg3[%swap3A_69, %swap3A_70] : memref<1x1xf32, #tpu.memory_space<smem>>
    } else {
    }
    return
  }
  func.func @transform_0(%arg0: i32) -> (i32, i32) {
    %c0_i32 = arith.constant 0 : i32
    %c0_i32_0 = arith.constant 0 : i32
    return %c0_i32, %arg0 : i32, i32
  }
  func.func @transform_1(%arg0: i32) -> (i32, i32) {
    %c0_i32 = arith.constant 0 : i32
    %c0_i32_0 = arith.constant 0 : i32
    return %arg0, %c0_i32 : i32, i32
  }
  func.func @transform_2(%arg0: i32) -> (i32, i32) {
    %c0_i32 = arith.constant 0 : i32
    %c0_i32_0 = arith.constant 0 : i32
    %c0_i32_1 = arith.constant 0 : i32
    return %c0_i32, %c0_i32_0 : i32, i32
  }
}

module attributes {stable_mosaic.version = 14 : i64} {
  func.func @_gamma_body(%arg0: i32, %arg1: memref<8x4000xf32, #tpu.memory_space<vmem>>, %arg2: memref<1x1xf32, #tpu.memory_space<smem>>, %arg3: memref<1xf32, #tpu.memory_space<smem>>) attributes {dimension_semantics = [#tpu.dimension_semantics<arbitrary>], iteration_bounds = array<i64: 100>, scalar_prefetch = 0 : i64, scratch_operands = 1 : i64, tpu.core_type = #tpu.core_type<tc>, window_params = [{transform_indices = @transform_0, window_bounds = array<i64: 8, 4000>}, {transform_indices = @transform_1, window_bounds = array<i64: 1, 1>}]} {
    %eq3A = arith.constant 0 : i32
    %eq3A_0 = arith.cmpi eq, %arg0, %eq3A : i32
    %convert_element_type3A = arith.extui %eq3A_0 : i1 to i32
    %cond3A = arith.constant 0 : i32
    %cond3A_1 = arith.cmpi ne, %convert_element_type3A, %cond3A : i32
    scf.if %cond3A_1 {
      %swap3A_16 = arith.constant 0.000000e+00 : f32
      %swap3A_17 = arith.constant 0 : index
      %swap3A_18 = memref.load %arg3[%swap3A_17] : memref<1xf32, #tpu.memory_space<smem>>
      memref.store %swap3A_16, %arg3[%swap3A_17] : memref<1xf32, #tpu.memory_space<smem>>
    } else {
    }
    %get3A = arith.constant 0 : index
    %get3A_2 = memref.load %arg3[%get3A] : memref<1xf32, #tpu.memory_space<smem>>
    %get3A_3 = arith.constant 0 : index
    %get3A_4 = arith.constant 0 : index
    %get3A_5 = vector.load %arg1[%get3A_3, %get3A_4] : memref<8x4000xf32, #tpu.memory_space<vmem>>, vector<8x4000xf32>
    %reduce_sum3A = vector.shape_cast %get3A_5 : vector<8x4000xf32> to vector<1x8x4000xf32>
    %reduce_sum3A_6 = arith.constant dense<0.000000e+00> : vector<1xf32>
    %reduce_sum3A_7 = vector.multi_reduction <add>, %reduce_sum3A, %reduce_sum3A_6 [1, 2] : vector<1x8x4000xf32> to vector<1xf32>
    %reduce_sum3A_8 = vector.shape_cast %reduce_sum3A_7 : vector<1xf32> to vector<1x1x1xf32>
    %reduce_sum3A_9 = vector.extract %reduce_sum3A_8[0, 0, 0] : f32 from vector<1x1x1xf32>
    %add3A = arith.addf %get3A_2, %reduce_sum3A_9 : f32
    %swap3A = arith.constant 0 : index
    %swap3A_10 = memref.load %arg3[%swap3A] : memref<1xf32, #tpu.memory_space<smem>>
    memref.store %add3A, %arg3[%swap3A] : memref<1xf32, #tpu.memory_space<smem>>
    %eq3A_11 = arith.constant 99 : i32
    %eq3A_12 = arith.cmpi eq, %arg0, %eq3A_11 : i32
    %convert_element_type3A_13 = arith.extui %eq3A_12 : i1 to i32
    %cond3A_14 = arith.constant 0 : i32
    %cond3A_15 = arith.cmpi ne, %convert_element_type3A_13, %cond3A_14 : i32
    scf.if %cond3A_15 {
      %get3A_16 = arith.constant 0 : index
      %get3A_17 = memref.load %arg3[%get3A_16] : memref<1xf32, #tpu.memory_space<smem>>
      %swap3A_18 = arith.constant 0 : index
      %swap3A_19 = arith.constant 0 : index
      %swap3A_20 = memref.load %arg2[%swap3A_18, %swap3A_19] : memref<1x1xf32, #tpu.memory_space<smem>>
      memref.store %get3A_17, %arg2[%swap3A_18, %swap3A_19] : memref<1x1xf32, #tpu.memory_space<smem>>
    } else {
    }
    return
  }
  func.func @transform_0(%arg0: i32) -> (i32, i32) {
    %c0_i32 = arith.constant 0 : i32
    %c0_i32_0 = arith.constant 0 : i32
    return %arg0, %c0_i32 : i32, i32
  }
  func.func @transform_1(%arg0: i32) -> (i32, i32) {
    %c0_i32 = arith.constant 0 : i32
    %c0_i32_0 = arith.constant 0 : i32
    %c0_i32_1 = arith.constant 0 : i32
    return %c0_i32, %c0_i32_0 : i32, i32
  }
}

</mosaic_0001>

<sc_bundles>
// kernel: kernel.5.cloned.1.call-start
scs
__scs_entry_jumppad:
0x0: {  	(pc) =	sbr.rel $0x88, $3  }
0x1: {  	(tag) =	ssettag $0x0;
	lr =	simm.s32 $0x1  }
0x2: {  	[smem:$0x3F9E] =	sst lr;
	_ =	strace $0xD0000000  }
0x3: {  	_ = 	snop  }
0x4: {  	_ = 	snop  }
0x5: {  	_ = 	snop  }
0x6: {  	_ = 	snop  }
0x7: {  	_ = 	snop  }
__scs_overlays_trampoline_lowered:
0x8: {  	[smem:$0x3FAD] =	sst s0  }
0x9: {  	[smem:$0x3FAE] =	sst s1  }
0xa: {  	[smem:$0x3FAF] =	sst s2  }
0xb: {  	[smem:$0x3FB0] =	sst s3  }
0xc: {  	[smem:$0x3FB1] =	sst s4  }
0xd: {  	[smem:$0x3FB2] =	sst s5  }
0xe: {  	[smem:$0x3FB3] =	sst s6  }
0xf: {  	[smem:$0x3FB4] =	sst s7  }
0x10: {  	[smem:$0x3FB5] =	sst s8  }
0x11: {  	[smem:$0x3FB6] =	sst s9;
	s0 =	simm.s32 @!p0 $0x0  }
0x12: {  	s1 =	sld [smem:$0x3F9C];
	s0 =	simm.s32 @p0 $0x1  }
0x13: {  	[smem:$0x3FB7] =	sst s0;
	s0 =	simm.s32 @!p1 $0x0  }
0x14: {  	s2 =	sld [smem:$0x3F9B];
	s0 =	simm.s32 @p1 $0x1  }
0x15: {  	[smem:$0x3FB8] =	sst s0;
	s0 =	simm.s32 @!p2 $0x0  }
0x16: {  	s3 =	sld [smem:$0x3FDB];
	s0 =	simm.s32 @p2 $0x1  }
0x17: {  	s4 =	simm.s32 $0x1BF5;
	[smem:$0x3FBA] =	sst s0  }
0x18: {  	s0 =	sld [smem:$0x3F9D];
	_ =	swait.ge [sflag:s4], $0x0  }
0x19: {  	s7 =	sld [smem:$0x3F9E]  }
0x1a: {  	s8 =	sadd.s32 $0xFFFFE003, lr  }
0x1b: {  	s9 =	sadd.s32 $0xFFFFFEF7, lr;
	s5 =	simm.s32 $0xFFFFFFFF;
	p2 =	slt.u32 s8, $0xFFFFF086  }
0x1c: {  	p1 =	slt.u32 s9, $0xF7A;
	s5 =	simm.s32 @!p2 $0x0  }
0x1d: {  	s5 =	simm.s32 @p1 $0x1;
	p0 =	seq.s32 s7, s2  }
0x1e: {  	s7 =	smul.u32 @!p0 $0xF7A, s2;
	p2 =	seq.s32 @!p0 s5, $0x0  }
0x1f: {  	s9 =	smul.u32 $0xF7A, s1;
	s8 =	simm.s32 @!p0 $0x1BF5;
	p2 =	por !p2, p0  }
0x20: {  	[sflag:s8] =	ssyncset.s32 @!p0 $0xFFFFF086;
	s6 =	sadd.s32 @!p0 s3, s7;
	s7 =	simm.s32 @!p0 $0x108  }
0x21: {  	s3 =	sadd.s32 s3, s9;
	s6 =	sadd.s32 @!p0 $0x88, s6;
	s7 =	simm.s32 @p2 $0x1082  }
0x22: {  	[simem:s7], [sflag:s8] =	dma.local @!p0 [hbm:s6], $0xF7A  }
0x23: {  	s9 =	sor.u32 $0xD0000000, s2;
	s6 =	simm.s32 $0x108;
	_ =	swait.ge @!p0 [sflag:s8], $0x0  }
0x24: {  	s3 =	sadd.s32 $0x88, s3;
	s6 =	simm.s32 @!p1 $0x1082;
	[sflag:s4] =	ssyncset.s32 $0xFFFFF086  }
0x25: {  	[simem:s6], [sflag:s4] =	dma.local [hbm:s3], $0xF7A  }
0x26: {  	[smem:$0x3F9E] =	sst s1;
	(tag) =	ssettag s2;
	_ =	strace s9  }
0x27: {  	s1 =	sld [smem:$0x3FAE]  }
0x28: {  	s2 =	sld [smem:$0x3FAF]  }
0x29: {  	s4 =	sld [smem:$0x3FB1]  }
0x2a: {  	p0 =	seq.s32 s5, $0x0;
	s5 =	sld [smem:$0x3FB2]  }
0x2b: {  	s6 =	sld [smem:$0x3FB3]  }
0x2c: {  	s7 =	sld [smem:$0x3FB4]  }
0x2d: {  	s3 =	simm.s32 $0x108;
	s8 =	sld [smem:$0x3FB5]  }
0x2e: {  	s3 =	simm.s32 @!p0 $0x1082;
	s9 =	sld [smem:$0x3FB6]  }
0x2f: {  	lr =	sadd.s32 s0, s3;
	s0 =	sld [smem:$0x3FAD]  }
0x30: {  	s3 =	sld [smem:$0x3FB0]  }
0x31: {  	[smem:$0x3FB9] =	sst s10  }
0x32: {  	s10 =	sld [smem:$0x3FB7];
	_ =	sdelay $0x3  }
0x33: {  	p0 =	seq.s32 s10, $0x1;
	s10 =	sld [smem:$0x3FB9];
	_ =	sdelay $0x3  }
0x34: {  	[smem:$0x3FB9] =	sst s10  }
0x35: {  	s10 =	sld [smem:$0x3FB8];
	_ =	sdelay $0x3  }
0x36: {  	p1 =	seq.s32 s10, $0x1;
	s10 =	sld [smem:$0x3FB9];
	_ =	sdelay $0x3  }
0x37: {  	[smem:$0x3FB9] =	sst s10  }
0x38: {  	s10 =	sld [smem:$0x3FBA]  }
0x39: {  	_ = 	snop;
	(pc) =	sbr.ind lr, $3  }
0x3a: {  	_ = 	snop  }
0x3b: {  	_ = 	snop  }
0x3c: {  	p2 =	seq.s32 s10, $0x1;
	s10 =	sld [smem:$0x3FB9]  }
0x3d: {  	_ =	shalt  }
0x3e: {  	_ =	shalt  }
0x3f: {  	_ =	shalt  }
0x40: {  	_ =	shalt  }
0x41: {  	_ =	shalt  }
0x42: {  	_ =	shalt  }
0x43: {  	_ =	shalt  }
0x44: {  	_ =	shalt  }
0x45: {  	_ =	shalt  }
0x46: {  	_ =	shalt  }
0x47: {  	_ =	shalt  }
0x48: {  	_ =	shalt  }
0x49: {  	_ =	shalt  }
0x4a: {  	_ =	shalt  }
0x4b: {  	_ =	shalt  }
0x4c: {  	_ =	shalt  }
0x4d: {  	_ =	shalt  }
0x4e: {  	_ =	shalt  }
0x4f: {  	_ =	shalt  }
0x50: {  	_ =	shalt  }
0x51: {  	_ =	shalt  }
0x52: {  	_ =	shalt  }
0x53: {  	_ =	shalt  }
0x54: {  	_ =	shalt  }
0x55: {  	_ =	shalt  }
0x56: {  	_ =	shalt  }
0x57: {  	_ =	shalt  }
0x58: {  	_ =	shalt  }
0x59: {  	_ =	shalt  }
0x5a: {  	_ =	shalt  }
0x5b: {  	_ =	shalt  }
0x5c: {  	_ =	shalt  }
0x5d: {  	_ =	shalt  }
0x5e: {  	_ =	shalt  }
0x5f: {  	_ =	shalt  }
0x60: {  	_ =	shalt  }
0x61: {  	_ =	shalt  }
0x62: {  	_ =	shalt  }
0x63: {  	_ =	shalt  }
0x64: {  	_ =	shalt  }
0x65: {  	_ =	shalt  }
0x66: {  	_ =	shalt  }
0x67: {  	_ =	shalt  }
0x68: {  	_ =	shalt  }
0x69: {  	_ =	shalt  }
0x6a: {  	_ =	shalt  }
0x6b: {  	_ =	shalt  }
0x6c: {  	_ =	shalt  }
0x6d: {  	_ =	shalt  }
0x6e: {  	_ =	shalt  }
0x6f: {  	_ =	shalt  }
0x70: {  	_ =	shalt  }
0x71: {  	_ =	shalt  }
0x72: {  	_ =	shalt  }
0x73: {  	_ =	shalt  }
0x74: {  	_ =	shalt  }
0x75: {  	_ =	shalt  }
0x76: {  	_ =	shalt  }
0x77: {  	_ =	shalt  }
0x78: {  	_ =	shalt  }
0x79: {  	_ =	shalt  }
0x7a: {  	_ =	shalt  }
0x7b: {  	_ =	shalt  }
0x7c: {  	_ =	shalt  }
0x7d: {  	_ =	shalt  }
0x7e: {  	_ =	shalt  }
0x7f: {  	_ =	shalt  }
0x80: {  	_ =	shalt  }
0x81: {  	_ =	shalt  }
0x82: {  	_ =	shalt  }
0x83: {  	_ =	shalt  }
0x84: {  	_ =	shalt  }
0x85: {  	_ =	shalt  }
0x86: {  	_ =	shalt  }
0x87: {  	_ =	shalt  }
.Lfunc_end0:
.L_simem_size_0:
called_computation_lowered:
.L_overlay_start_0:
0x88: {  	s2 =	sld [smem:$0x3FD9]  }
0x89: {  	s3 =	sld [smem:$0x3FFE];
	_ =	sdelay $0x1  }
0x8a: {  	s1 =	srdreg.scid  }
0x8b: {  	s0 =	sand.u32 $0x1, s1  }
0x8c: {  	s14 =	sshll.u32 s0, $0xA;
	s2 =	sadd.s32 s3, s2  }
0x8d: {  	s2 =	sadd.s32 s2, s14  }
0x8e: {  	[smem:$0x3FC5] =	sst s2  }
0x8f: {  	_ = 	snop  }
0x90: {  	s2 =	sld [smem:$0x3FD0];
	_ =	sdelay $0x2  }
0x91: {  	s15 =	simm.s32 $0xA;
	s4 =	simm.s32 $0x10  }
0x92: {  	[smem:s4], [sflag:s15] =	dma.local [hbm:s2], $0x1  }
0x93: {  	_ =	swait.eq [sflag:s15], $0x1  }
0x94: {  	[sflag:s15] =	ssyncset.done $0x0  }
0x95: {  	[sflag:s15] =	ssyncadd.s32 $0xFFFFFFFF  }
0x96: {  	s16 =	sld [smem:$0x13];
	(tm) =	ssettm $0x1  }
0x97: {  	s17 =	sld [smem:$0x3FFB];
	_ =	sdelay $0x3  }
0x98: {  	_ =	strace s17  }
0x99: {  	s3 =	sld [smem:$0x3FFC];
	_ =	sdelay $0x3  }
0x9a: {  	_ =	strace s3  }
0x9b: {  	s3 =	sld [smem:$0x3FFD];
	_ =	sdelay $0x3  }
0x9c: {  	_ =	strace s3  }
0x9d: {  	_ =	strace $0x8FFFFFFF  }
0x9e: {  	s18 =	sld [smem:$0x3FDB];
	_ =	sdelay $0x1  }
0x9f: {  	s19 =	simm.s32 $_scs_section_size  }
0xa0: {  	s5 =	simm.s32 $_size__tile_overlayer_lowered;
	s6 =	simm.s32 $_tile_overlayer_lowered  }
0xa1: {  	s22 =	simm.s32 $0x1BFF;
	s21 =	sshll.u32 s6, $0x1;
	s3 =	sadd.s32 s19, s18  }
0xa2: {  	s7 =	simm.s32 $0x0;
	s20 =	sshll.u32 s5, $0x1;
	s5 =	sadd.s32 s21, s3  }
0xa3: {  	[timem:s7], [sflag:s22] =	dma.local [hbm:s5], s20  }
0xa4: {  	_ =	swait.ge [sflag:s22], s20  }
0xa5: {  	s4 =	ssub.s32 $0x0, s20;
	[sflag:s22] =	ssyncset.done $0x0  }
0xa6: {  	[sflag:s22] =	ssyncadd.s32 s4;
	_ =	sdelay $0x1  }
0xa7: {  	s23 =	simm.s32 $0x1B8B  }
0xa8: {  	_ =	swait.ge [sflag:s23], $0x1  }
0xa9: {  	[sflag:s23] =	ssyncset.done $0x0  }
0xaa: {  	s25 =	simm.s32 $0x1B8E;
	s24 =	sld [smem:$0x3FFE];
	[sflag:s23] =	ssyncadd.s32 $0xFFFFFFFF  }
0xab: {  	s26 =	simm.s32 $execute0_lowered;
	[smem:$0x3FD2] =	sst s25  }
0xac: {  	s5 =	sshll.u32 s26, $0x1;
	_ =	strace $0x80000046;
	[dreg:$0x1] =	wrdreg $0xFFFFFFFF  }
0xad: {  	s28 =	simm.s32 $_size_execute0_lowered;
	s3 =	sadd.s32 s3, s5;
	[dreg:$0x0] =	wrdreg $0x0  }
0xae: {  	s5 =	sshll.u32 s28, $0x1;
	[dreg:$0x2] =	wrdreg s3  }
0xaf: {  	[dreg:$0x3] =	wrdreg s5  }
0xb0: {  	[dreg:$0x4] =	wrdreg $0xC0  }
0xb1: {  	_ =	task [dreg:s7], $0x5FFFF  }
0xb2: {  	[dreg:$0x1] =	wrdreg $0xFFFFFFFF  }
0xb3: {  	[dreg:$0x0] =	wrdreg $0x60  }
0xb4: {  	[dreg:$0x2] =	wrdreg s24  }
0xb5: {  	[dreg:$0x3] =	wrdreg s16  }
0xb6: {  	[dreg:$0x4] =	wrdreg $0xB4100  }
0xb7: {  	[dreg:$0x5] =	wrdreg $0x9  }
0xb8: {  	_ =	task.clear_ibuf [dreg:s7], $0x6FFFF;
	_ =	strace $0x90000046  }
0xb9: {  	s29 =	simm.s32 $0x9;
	_ =	strace $0x80000048  }
0xba: {  	_ =	swait.ge [sflag:s29], $0x1  }
0xbb: {  	[sflag:s29] =	ssyncadd.s32 $0xFFFFFFFF  }
0xbc: {  	_ =	strace $0x90000048  }
0xbd: {  	_ =	sfence  }
0xbe: {  	s30 =	sld [smem:$0x0];
	_ =	sdelay $0x2  }
0xbf: {  	s31 =	sshll.u32 s1, $0xD;
	s1 =	sshrl.u32 s1, $0x2  }
0xc0: {  	s3 =	sand.u32 $0x4000, s31;
	s1 =	sadd.s32 s1, s30  }
0xc1: {  	s0 =	sor.u32 s3, s0;
	s1 =	sshll.u32 s1, $0x11  }
0xc2: {  	s0 =	sor.u32 s1, s0  }
0xc3: {  	s0 =	sadd.s32 $0x8F2B, s0  }
0xc4: {  	[sflag:s0] =	ssyncadd.remote.s32 $0x1  }
0xc5: {  	_ =	sfence.sel $0xFFFF  }
0xc6: {  	[dreg:$0x0] =	wrdreg $0xFFFFFFFF;
	(pc) =	sbr.abs _section_cstart, $3  }
0xc7: {  	[dreg:$0x1] =	wrdreg $0xFFFFFFFF  }
0xc8: {  	_ =	task.clear_ibuf [dreg:s7], $0x2FFFF;
	_ =	strace $0x9FFFFFFF  }
0xc9: {  	(tm) =	ssettm $0x7FFFFFFF  }
tec
execute0_lowered:
.L_overlay_start_1:
0x0: {  	(tag) =	ssettag $0x1  }
0x1: {  	s0 =	rddreg [dreg:$0x0]  }
0x2: {  	s1 =	rddreg [dreg:$0x1]  }
0x3: {  	s2 =	rddreg [dreg:$0x2]  }
0x4: {  	s4 =	srdreg.scid;
	s26 =	stileid.u32  }
0x5: {  	s3 =	simm.s32 $0x0;
	s14 =	simm.s32 $0x500;
	s15 =	simm.s32 $0x30D400  }
0x6: {  	s16 =	simm.s32 $0xA00;
	s18 =	simm.s32 $0x5;
	s19 =	simm.s32 $0x3  }
0x7: {  	s20 =	simm.s32 $0x1400;
	s21 =	simm.s32 $0x3C00;
	s22 =	simm.s32 $0x4  }
0x8: {  	s28 =	simm.s32 $0x2;
	s30 =	simm.s32 $0x0;
	s5 =	sand.u32 $0x1, s4  }
0x9: {  	s23 =	sshll.u32 s26, $0x1;
	[smem:$0x7FF] =	sst s3;
	s4 =	sadd.s32 $0x2800, s0  }
0xa: {  	s11 =	smul.u32 $0xC350, s26;
	s29 =	sshll.u32 s26, $0x6;
	p0 =	sgt.u32 s26, $0x1  }
0xb: {  	s26 =	simm.s32 $0x1;
	s7 =	sor.u32 s5, s23;
	_ =	strace $0x80000047  }
0xc: {  	s5 =	ssub.s32 $0x2, s5;
	s23 =	simm.s32 $0x6400;
	s10 =	smul.u32 $0x18600, s7  }
0xd: {  	s6 =	sshll.u32 s7, $0x1;
	s8 =	sshrl.u32 s5, $0x1;
	s25 =	sshrl.u32 s11, $0x3  }
0xe: {  	s12 =	smul.u32 $0xA0, s7;
	s17 =	sadd.s32 s11, s2;
	s0 =	sadd.s32 s6, s0  }
0xf: {  	s13 =	ssub.s32 s5, s8;
	s7 =	sadd.s32 s1, s25;
	s8 =	sor.u32 $0x1C05, s29  }
.Ltmp0:
0x10: {  	s17 =	sshrl.u32 s17, $0x3;
	s25 =	simm.s32 $0x8C00;
	(pc) =	sbr.rel .LBB2_1-.Ltmp0, $4  }
0x11: {  	s9 =	sshrl.u32 s10, $0x3;
	s31 =	sadd.s32 s12, s4;
	s12 =	sadd.s32 $0xC5E00, s0  }
0x12: {  	v1 =	vlaneseq.u32;
	s13 =	smax.u32 s13, $0x1;
	s5 =	sadd.s32 s4, s9;
	s1 =	sadd.s32 $0x61800, s31  }
0x13: {  	v0 =	vshrl.u32 v1, $0x3;
	s9 =	sadd.s32 $0xA00, s10;
	s24 =	sadd.s32 $0xA0, s5;
	[dreg:$0x5] =	wrdreg s1  }
0x14: {  	v1 =	vand.u32 $0x7, v1;
	v0 =	vmul.u32 $0x8, v0;
	s10 =	sadd.s32 $0xF00, s10;
	[dreg:$0x4] =	wrdreg s24;
	s24 =	simm.s32 $0xF00  }
.LBB2_11:
0x15: {  	s30 =	sadd.s32 $0x1, s30  }
0x16: {  	p1 =	sne.s32 s30, s13  }
.Ltmp1:
0x17: {  	s0 =	simm.s32 $0xB400;
	(pc) =	sbr.rel @!p1 .LBB2_12-.Ltmp1, $4  }
0x18: {  	[hbm4b:s12+s3] =	stream.linear.scatter [tilespmem:s0], [sflag:$0x5], $0x10, $0x38;
	[tilespmem:$0x17760] =	vst v63  }
0x19: {  	_ =	swait.ge [sflag:s18], $0x10  }
0x1a: {  	[sflag:s18] =	ssyncset.done $0x0  }
0x1b: {  	[sflag:s18] =	ssyncadd.s32 $0xFFFFFFF0  }
.LBB2_1:
0x1c: {  	[tilespmem:s3], [sflag:$0x3] =	stream.strided.gather [hbm4b:s5+s14], $0xA00, s15, s14, $0x38;
	[tilespmem:$0x17760] =	vst v63  }
0x1d: {  	s0 =	rddreg [dreg:$0x4]  }
0x1e: {  	[tilespmem:s16], [sflag:$0x4] =	stream.strided.gather [hbm4b:s0+s14], $0xA00, s15, s14, $0x38;
	[tilespmem:$0x17760] =	vst v63  }
0x1f: {  	[spmem:s17], [sflag:s8] =	dma.local [hbm:s7], $0x186A  }
0x20: {  	_ =	swait.ge [sflag:s18], $0x186A  }
0x21: {  	[sflag:s18] =	ssyncset.done $0x0  }
0x22: {  	[sflag:s18] =	ssyncadd.s32 $0xFFFFE796  }
0x23: {  	[bflag:$0x0] =	sbarrier.arrive $0xFFFF  }
0x24: {  	_ =	swait.ge [sflag:s19], $0xA00  }
0x25: {  	[sflag:s19] =	ssyncset.done $0x0  }
0x26: {  	[sflag:s19] =	ssyncadd.s32 $0xFFFFF600  }
0x27: {  	[tilespmem:s20], [sflag:$0x1] =	stream.indirect.gather [spmem:s2], $0x8, s3, s14, $0xb8;
	[tilespmem:$0x17760] =	vst v63  }
0x28: {  	s31 =	simm.s32 $0x0  }
0x29: {  	v2 =	vimm.f32 $0.0e+00;
	v3 =	vimm.f32 $0.0e+00;
	[tilespmem:s21], [sflag:$0x1] =	stream.indirect.gather [spmem:s2], $0x8, s14, s14, $0xb8;
	[tilespmem:$0x17760] =	vst v63  }
.LBB2_2:
0x2a: {  	_ =	swait.ge [sflag:s22], $0xA00  }
0x2b: {  	[sflag:s22] =	ssyncset.done $0x0  }
0x2c: {  	[sflag:s22] =	ssyncadd.s32 $0xFFFFF600  }
0x2d: {  	[tilespmem:s23], [sflag:$0x2] =	stream.indirect.gather [spmem:s2], $0x8, s16, s14, $0xb8;
	[tilespmem:$0x17760] =	vst v63  }
0x2e: {  	_ = 	snop  }
0x2f: {  	[tilespmem:s25], [sflag:$0x2] =	stream.indirect.gather [spmem:s2], $0x8, s24, s14, $0xb8;
	[tilespmem:$0x17760] =	vst v63  }
0x30: {  	p1 =	seq.s32 s31, $0x26;
	s1 =	simm.s32 $0x6;
	_ =	swait.ge [sflag:s26], $0x2800  }
0x31: {  	s0 =	smul.u32 @!p1 $0xA00, s31;
	v4 =	vmov s1;
	[sflag:s26] =	ssyncset.done $0x0  }
0x32: {  	s29 =	simm.s32 $0x4;
	v4 =	vshll.u32 v4, $0x3;
	[sflag:s26] =	ssyncadd.s32 $0xFFFFD800  }
0x33: {  	v5 =	vmov s29;
	s29 =	simm.s32 @!p1 $0x500;
	s1 =	sadd.s32 @!p1 s0, s9;
	v4 =	vor.u32 v0, v4;
	_ =	swait.ge [sflag:s26], $0x2800  }
0x34: {  	s11 =	simm.s32 @!p1 $0x30D400;
	v5 =	vshll.u32 v5, $0x3;
	s1 =	sshrl.u32 @!p1 s1, $0x3;
	v4 =	vor.u32 v1, v4;
	[sflag:s26] =	ssyncset.done $0x0  }
0x35: {  	s6 =	simm.s32 @!p1 $0x0;
	v5 =	vor.u32 v0, v5;
	s1 =	sadd.s32 @!p1 s4, s1;
	[sflag:s26] =	ssyncadd.s32 $0xFFFFD800  }
0x36: {  	v5 =	vor.u32 v1, v5;
	[tilespmem:s6], [sflag:$0x3] =	stream.strided.gather @!p1 [hbm4b:s1+s29], $0xA00, s11, s29, $0x38;
	[tilespmem:$0x17760] =	vst v63  }
0x37: {  	s11 =	simm.s32 $0x2  }
0x38: {  	s6 =	simm.s32 $0x0;
	v6 =	vmov s11  }
0x39: {  	v7 =	vld.idx.msk [tilespmem:v4+s21+$0x0], $0xffff;
	v8 =	vmov s6;
	v6 =	vshll.u32 v6, $0x3  }
0x3a: {  	v4 =	vld.idx.msk [tilespmem:v4+s20+$0x0], $0xffff;
	v8 =	vshll.u32 v8, $0x3;
	v6 =	vor.u32 v0, v6  }
0x3b: {  	v9 =	vld.idx.msk [tilespmem:v5+s21+$0x0], $0xffff;
	s11 =	simm.s32 $0xE;
	v8 =	vor.u32 v0, v8;
	v6 =	vor.u32 v1, v6  }
0x3c: {  	v10 =	vmov s11;
	v8 =	vor.u32 v1, v8  }
0x3d: {  	v5 =	vld.idx.msk [tilespmem:v5+s20+$0x0], $0xffff;
	v10 =	vshll.u32 v10, $0x3  }
0x3e: {  	v10 =	vor.u32 v0, v10;
	v11 =	vshll.u32 v7, $0x10;
	v7 =	vand.u32 $0xFFFF0000, v7  }
0x3f: {  	v10 =	vor.u32 v1, v10;
	v12 =	vshll.u32 v4, $0x10;
	v7 =	vsub.f32 $1.000000000e+00, v7  }
0x40: {  	v4 =	vand.u32 $0xFFFF0000, v4;
	v14 =	vshll.u32 v9, $0x10;
	v9 =	vand.u32 $0xFFFF0000, v9;
	v13 =	vld.idx.msk [tilespmem:v6+s21+$0x0], $0xffff  }
0x41: {  	s6 =	simm.s32 $0xC;
	v11 =	vsub.f32 $1.000000000e+00, v11;
	v9 =	vsub.f32 $1.000000000e+00, v9;
	v15 =	vld.idx.msk [tilespmem:v8+s21+$0x0], $0xffff;
	v4 =	vmul.f32 v4, v7  }
0x42: {  	v7 =	vmov s6;
	v16 =	vld.idx.msk [tilespmem:v6+s20+$0x0], $0xffff;
	v6 =	vsub.f32 $1.000000000e+00, v14;
	v14 =	vand.u32 $0xFFFF0000, v5  }
0x43: {  	v8 =	vld.idx.msk [tilespmem:v8+s20+$0x0], $0xffff;
	v5 =	vshll.u32 v5, $0x10;
	v7 =	vshll.u32 v7, $0x3;
	v9 =	vmul.f32 v14, v9  }
0x44: {  	v11 =	vmul.f32 v12, v11;
	v7 =	vor.u32 v0, v7;
	v5 =	vmul.f32 v5, v6  }
0x45: {  	v4 =	vadd.f32 v4, v2;
	v7 =	vor.u32 v1, v7;
	v14 =	vadd.f32 v9, v2  }
0x46: {  	v6 =	vand.u32 $0xFFFF0000, v13;
	v9 =	vshll.u32 v15, $0x10;
	v15 =	vand.u32 $0xFFFF0000, v15  }
0x47: {  	v13 =	vshll.u32 v13, $0x10;
	v17 =	vand.u32 $0xFFFF0000, v16;
	v6 =	vsub.f32 $1.000000000e+00, v6  }
0x48: {  	v18 =	vshll.u32 v8, $0x10;
	v9 =	vsub.f32 $1.000000000e+00, v9;
	v15 =	vsub.f32 $1.000000000e+00, v15  }
0x49: {  	s11 =	simm.s32 $0xA;
	v8 =	vand.u32 $0xFFFF0000, v8;
	v13 =	vsub.f32 $1.000000000e+00, v13;
	v6 =	vmul.f32 v17, v6  }
0x4a: {  	s6 =	simm.s32 $0x8;
	v17 =	vmov s11;
	v9 =	vmul.f32 v18, v9;
	v8 =	vmul.f32 v8, v15  }
0x4b: {  	v18 =	vmov s6;
	v15 =	vshll.u32 v17, $0x3;
	v17 =	vld.idx.msk [tilespmem:v10+s21+$0x0], $0xffff;
	v24 =	vadd.f32 v6, v2  }
0x4c: {  	v6 =	vadd.f32 v9, v2;
	v9 =	vshll.u32 v18, $0x3;
	v18 =	vld.idx.msk [tilespmem:v10+s20+$0x0], $0xffff;
	v10 =	vshll.u32 v16, $0x10  }
0x4d: {  	v15 =	vor.u32 v0, v15;
	v16 =	vld.idx.msk [tilespmem:v7+s21+$0x0], $0xffff;
	v9 =	vor.u32 v0, v9;
	v10 =	vmul.f32 v10, v13  }
0x4e: {  	s11 =	simm.s32 $0x16;
	v8 =	vadd.f32 v8, v2;
	v15 =	vor.u32 v1, v15;
	v19 =	vor.u32 v1, v9  }
0x4f: {  	v9 =	vadd.f32 v5, v2;
	v5 =	vmov s11;
	v10 =	vadd.f32 v10, v2  }
0x50: {  	v7 =	vld.idx.msk [tilespmem:v7+s20+$0x0], $0xffff;
	v5 =	vshll.u32 v5, $0x3;
	v12 =	vshll.u32 v17, $0x10;
	v13 =	vand.u32 $0xFFFF0000, v17  }
0x51: {  	v5 =	vor.u32 v0, v5;
	v12 =	vsub.f32 $1.000000000e+00, v12;
	v17 =	vsub.f32 $1.000000000e+00, v13  }
0x52: {  	s6 =	simm.s32 $0x14;
	v13 =	vshll.u32 v18, $0x10;
	v18 =	vand.u32 $0xFFFF0000, v18;
	v21 =	vshll.u32 v16, $0x10  }
0x53: {  	v16 =	vand.u32 $0xFFFF0000, v16;
	v20 =	vld.idx.msk [tilespmem:v15+s21+$0x0], $0xffff;
	v23 =	vmul.f32 v18, v17;
	v17 =	vmov s6  }
0x54: {  	v22 =	vld.idx.msk [tilespmem:v19+s21+$0x0], $0xffff;
	v18 =	vsub.f32 $1.000000000e+00, v21;
	v21 =	vsub.f32 $1.000000000e+00, v16;
	v16 =	vshll.u32 v17, $0x3  }
0x55: {  	v15 =	vld.idx.msk [tilespmem:v15+s20+$0x0], $0xffff;
	v17 =	vshll.u32 v7, $0x10;
	v7 =	vand.u32 $0xFFFF0000, v7;
	v25 =	vor.u32 v0, v16  }
0x56: {  	s11 =	simm.s32 $0x12;
	v19 =	vld.idx.msk [tilespmem:v19+s20+$0x0], $0xffff;
	v16 =	vmul.f32 v17, v18;
	v7 =	vmul.f32 v7, v21;
	v18 =	vor.u32 v1, v5  }
0x57: {  	v4 =	vadd.f32 v23, v4;
	v23 =	vmov s11;
	v17 =	vor.u32 v1, v25  }
0x58: {  	v63 =	vshll.u32 v20, $0x10;
	v20 =	vand.u32 $0xFFFF0000, v20;
	v5 =	vadd.f32 v7, v14  }
0x59: {  	v7 =	vshll.u32 v22, $0x10;
	v14 =	vand.u32 $0xFFFF0000, v22;
	v20 =	vsub.f32 $1.000000000e+00, v20  }
0x5a: {  	v21 =	vand.u32 $0xFFFF0000, v15;
	v7 =	vsub.f32 $1.000000000e+00, v7;
	v14 =	vsub.f32 $1.000000000e+00, v14  }
0x5b: {  	v22 =	vshll.u32 v19, $0x10;
	v19 =	vand.u32 $0xFFFF0000, v19;
	v26 =	vmul.f32 v21, v20  }
0x5c: {  	v23 =	vshll.u32 v23, $0x3;
	v20 =	vmul.f32 v22, v7;
	v21 =	vmul.f32 v19, v14  }
0x5d: {  	s29 =	simm.s32 $0x10;
	s1 =	simm.s32 $0x1E;
	v19 =	vld.idx.msk [tilespmem:v18+s21+$0x0], $0xffff;
	v22 =	vsub.f32 $1.000000000e+00, v63;
	v14 =	vimm.f32 $0.0e+00;
	v7 =	vadd.f32 v26, v24  }
.LBB2_3:
0x5e: {  	p2 =	sne.s32 s1, $0x4FE;
	v24 =	vmov s29;
	v6 =	vadd.f32 v20, v6;
	v8 =	vadd.f32 v21, v8  }
0x5f: {  	v21 =	vor.u32 v0, v23;
	v15 =	vshll.u32 v15, $0x10;
	v20 =	vshll.u32 v24, $0x3;
	v18 =	vld.idx.msk [tilespmem:v18+s20+$0x0], $0xffff  }
0x60: {  	v21 =	vor.u32 v1, v21;
	v15 =	vmul.f32 v15, v22;
	v20 =	vor.u32 v0, v20;
	v23 =	vld.idx.msk [tilespmem:v17+s21+$0x0], $0xffff  }
0x61: {  	v9 =	vadd.f32 v16, v9;
	v12 =	vmul.f32 v13, v12;
	v20 =	vor.u32 v1, v20  }
0x62: {  	v14 =	vadd.f32 v11, v14;
	v10 =	vadd.f32 v15, v10;
	v16 =	vld.idx.msk [tilespmem:v17+s20+$0x0], $0xffff  }
0x63: {  	v13 =	vmov s1;
	v11 =	vmovc v12;
	v15 =	vshll.u32 v19, $0x10;
	v17 =	vand.u32 $0xFFFF0000, v19  }
0x64: {  	v13 =	vshll.u32 v13, $0x3;
	v12 =	vsub.f32 $1.000000000e+00, v15;
	v15 =	vsub.f32 $1.000000000e+00, v17  }
0x65: {  	v19 =	vor.u32 v0, v13;
	v13 =	vshll.u32 v18, $0x10;
	v17 =	vand.u32 $0xFFFF0000, v18;
	v22 =	vld.idx.msk [tilespmem:v21+s21+$0x0], $0xffff  }
0x66: {  	s6 =	sadd.s32 $0xFFFFFFFE, s1;
	v18 =	vshll.u32 v23, $0x10;
	v23 =	vand.u32 $0xFFFF0000, v23;
	v25 =	vmul.f32 v17, v15;
	v24 =	vld.idx.msk [tilespmem:v20+s21+$0x0], $0xffff  }
0x67: {  	v17 =	vmov s6;
	v18 =	vsub.f32 $1.000000000e+00, v18;
	v15 =	vld.idx.msk [tilespmem:v21+s20+$0x0], $0xffff;
	v21 =	vsub.f32 $1.000000000e+00, v23  }
0x68: {  	v17 =	vshll.u32 v17, $0x3;
	v23 =	vshll.u32 v16, $0x10;
	v26 =	vand.u32 $0xFFFF0000, v16;
	v20 =	vld.idx.msk [tilespmem:v20+s20+$0x0], $0xffff  }
0x69: {  	v17 =	vor.u32 v0, v17;
	v16 =	vmul.f32 v23, v18;
	v21 =	vmul.f32 v26, v21  }
0x6a: {  	v4 =	vadd.f32 v25, v4;
	v17 =	vor.u32 v1, v17;
	v18 =	vor.u32 v1, v19  }
0x6b: {  	v25 =	vshll.u32 v22, $0x10;
	v19 =	vand.u32 $0xFFFF0000, v22;
	v5 =	vadd.f32 v21, v5  }
.Ltmp2:
0x6c: {  	v21 =	vshll.u32 v24, $0x10;
	v22 =	vand.u32 $0xFFFF0000, v24;
	v19 =	vsub.f32 $1.000000000e+00, v19;
	(pc) =	sbr.rel @p2 .LBB2_3-.Ltmp2, $4  }
0x6d: {  	v21 =	vsub.f32 $1.000000000e+00, v21;
	v22 =	vsub.f32 $1.000000000e+00, v22;
	v23 =	vand.u32 $0xFFFF0000, v15  }
0x6e: {  	s6 =	sadd.s32 $0xFFFFFFFC, s1;
	v24 =	vshll.u32 v20, $0x10;
	v26 =	vand.u32 $0xFFFF0000, v20;
	v27 =	vmul.f32 v23, v19  }
0x6f: {  	v19 =	vmov s6;
	v20 =	vmul.f32 v24, v21;
	v21 =	vmul.f32 v26, v22  }
0x70: {  	s29 =	sadd.s32 $0xFFFFFFFA, s1;
	s1 =	sadd.s32 $0x8, s1;
	v23 =	vshll.u32 v19, $0x3;
	v22 =	vsub.f32 $1.000000000e+00, v25;
	v7 =	vadd.f32 v27, v7;
	v19 =	vld.idx.msk [tilespmem:v18+s21+$0x0], $0xffff  }
0x71: {  	v24 =	vmov s29  }
0x72: {  	v24 =	vshll.u32 v24, $0x3  }
0x73: {  	v24 =	vor.u32 v0, v24  }
0x74: {  	v23 =	vor.u32 v0, v23;
	v24 =	vor.u32 v1, v24  }
0x75: {  	v23 =	vor.u32 v1, v23;
	_ =	sdelay $0x1  }
0x76: {  	v18 =	vld.idx.msk [tilespmem:v18+s20+$0x0], $0xffff  }
0x77: {  	v25 =	vld.idx.msk [tilespmem:v17+s21+$0x0], $0xffff;
	v15 =	vshll.u32 v15, $0x10  }
0x78: {  	v6 =	vadd.f32 v20, v6;
	v15 =	vmul.f32 v15, v22;
	v22 =	vld.idx.msk [tilespmem:v24+s21+$0x0], $0xffff  }
0x79: {  	v8 =	vadd.f32 v21, v8;
	v11 =	vadd.f32 v11, v14;
	v12 =	vmul.f32 v13, v12;
	v26 =	vld.idx.msk [tilespmem:v23+s21+$0x0], $0xffff  }
0x7a: {  	v9 =	vadd.f32 v16, v9;
	v10 =	vadd.f32 v15, v10;
	v14 =	vshll.u32 v19, $0x10;
	v15 =	vld.idx.msk [tilespmem:v24+s20+$0x0], $0xffff  }
0x7b: {  	v11 =	vadd.f32 v12, v11;
	v16 =	vand.u32 $0xFFFF0000, v19;
	v13 =	vsub.f32 $1.000000000e+00, v14  }
0x7c: {  	v14 =	vsub.f32 $1.000000000e+00, v16;
	v16 =	vshll.u32 v18, $0x10;
	v19 =	vshll.u32 v25, $0x10;
	v20 =	vld.idx.msk [tilespmem:v23+s20+$0x0], $0xffff  }
0x7d: {  	v17 =	vld.idx.msk [tilespmem:v17+s20+$0x0], $0xffff;
	v23 =	vand.u32 $0xFFFF0000, v25;
	_ =	swait.ge [sflag:s28], $0x2800;
	v21 =	vshll.u32 v22, $0x10;
	v22 =	vand.u32 $0xFFFF0000, v22  }
0x7e: {  	[sflag:s28] =	ssyncset.done $0x0;
	v55 =	vshll.u32 v26, $0x10;
	v21 =	vsub.f32 $1.000000000e+00, v21;
	v22 =	vsub.f32 $1.000000000e+00, v22  }
0x7f: {  	[sflag:s28] =	ssyncadd.s32 $0xFFFFD800;
	v56 =	vand.u32 $0xFFFF0000, v26;
	v24 =	vshll.u32 v15, $0x10;
	v15 =	vand.u32 $0xFFFF0000, v15  }
0x80: {  	_ =	swait.ge [sflag:s28], $0x2800;
	v21 =	vmul.f32 v24, v21;
	v15 =	vmul.f32 v15, v22;
	v22 =	vsub.f32 $1.000000000e+00, v55  }
0x81: {  	v58 =	vshll.u32 v20, $0x10;
	v20 =	vand.u32 $0xFFFF0000, v20;
	[sflag:s28] =	ssyncset.done $0x0;
	v57 =	vsub.f32 $1.000000000e+00, v56  }
0x82: {  	s1 =	simm.s32 @!p1 $0x3;
	[sflag:s28] =	ssyncadd.s32 $0xFFFFD800;
	v6 =	vadd.f32 v21, v6;
	v8 =	vadd.f32 v15, v8;
	v15 =	vmul.f32 v58, v22  }
0x83: {  	v19 =	vsub.f32 $1.000000000e+00, v19;
	v23 =	vsub.f32 $1.000000000e+00, v23;
	_ =	swait.ge @!p1 [sflag:s1], $0xA00;
	v20 =	vmul.f32 v20, v57  }
0x84: {  	s6 =	simm.s32 @!p1 $0x0;
	s11 =	simm.s32 @!p1 $0x1400;
	[sflag:s1] =	ssyncset.done @!p1 $0x0;
	v21 =	vshll.u32 v17, $0x10;
	v10 =	vadd.f32 v15, v10;
	v6 =	vadd.f32 v8, v6  }
0x85: {  	s29 =	simm.s32 $0x6;
	v13 =	vmul.f32 v16, v13;
	[sflag:s1] =	ssyncadd.s32 @!p1 $0xFFFFF600;
	s1 =	simm.s32 @!p1 $0x500;
	v7 =	vadd.f32 v20, v7;
	v15 =	vmul.f32 v21, v19  }
0x86: {  	[tilespmem:s11], [sflag:$0x1] =	stream.indirect.gather @!p1 [spmem:s2], $0x8, s6, s1, $0xb8;
	v17 =	vand.u32 $0xFFFF0000, v17;
	v6 =	vadd.f32 v10, v6;
	v10 =	vmov s29;
	[tilespmem:$0x17760] =	vst v63  }
0x87: {  	s0 =	sadd.s32 @!p1 s0, s10;
	s11 =	simm.s32 $0x4;
	v17 =	vmul.f32 v17, v23;
	v9 =	vadd.f32 v15, v9;
	v10 =	vshll.u32 v10, $0x3  }
0x88: {  	s0 =	sshrl.u32 @!p1 s0, $0x3;
	v6 =	vadd.f32 v7, v6;
	v7 =	vor.u32 v0, v10;
	v10 =	vmov s11  }
0x89: {  	s0 =	sadd.s32 @!p1 s4, s0;
	s6 =	simm.s32 @!p1 $0x3C00;
	v8 =	vand.u32 $0xFFFF0000, v18;
	v10 =	vshll.u32 v10, $0x3;
	v7 =	vor.u32 v1, v7  }
0x8a: {  	[tilespmem:s6], [sflag:$0x1] =	stream.indirect.gather @!p1 [spmem:s2], $0x8, s1, s1, $0xb8;
	v5 =	vadd.f32 v17, v5;
	v6 =	vadd.f32 v9, v6;
	v9 =	vor.u32 v0, v10;
	[tilespmem:$0x17760] =	vst v63  }
0x8b: {  	s6 =	simm.s32 @!p1 $0x30D400;
	v8 =	vmul.f32 v8, v14;
	s29 =	simm.s32 $0x2;
	s11 =	simm.s32 @!p1 $0xA00;
	v9 =	vor.u32 v1, v9  }
0x8c: {  	[tilespmem:s11], [sflag:$0x4] =	stream.strided.gather @!p1 [hbm4b:s0+s1], $0xA00, s6, s1, $0x38;
	v10 =	vadd.f32 v13, v11;
	v5 =	vadd.f32 v5, v6;
	[tilespmem:$0x17760] =	vst v63  }
0x8d: {  	v4 =	vadd.f32 v8, v4;
	s1 =	simm.s32 $0x0;
	v6 =	vmov s29  }
0x8e: {  	s6 =	simm.s32 $0xE;
	v6 =	vshll.u32 v6, $0x3;
	v5 =	vadd.f32 v10, v5;
	v8 =	vld.idx.msk [tilespmem:v7+s25+$0x0], $0xffff;
	v10 =	vmov s1  }
0x8f: {  	v11 =	vmov s6;
	v6 =	vor.u32 v0, v6;
	v7 =	vld.idx.msk [tilespmem:v7+s23+$0x0], $0xffff;
	v10 =	vshll.u32 v10, $0x3  }
0x90: {  	v6 =	vor.u32 v1, v6;
	v4 =	vadd.f32 v4, v5;
	v5 =	vor.u32 v0, v10;
	v10 =	vld.idx.msk [tilespmem:v9+s25+$0x0], $0xffff  }
0x91: {  	v11 =	vshll.u32 v11, $0x3  }
0x92: {  	v11 =	vor.u32 v0, v11;
	v5 =	vor.u32 v1, v5  }
0x93: {  	v9 =	vld.idx.msk [tilespmem:v9+s23+$0x0], $0xffff;
	v3 =	vadd.f32 v4, v3;
	v12 =	vshll.u32 v8, $0x10;
	v8 =	vand.u32 $0xFFFF0000, v8  }
0x94: {  	v4 =	vimm.f32 $0.0e+00;
	v14 =	vshll.u32 v7, $0x10;
	v8 =	vsub.f32 $1.000000000e+00, v8  }
0x95: {  	s11 =	simm.s32 $0xC;
	v7 =	vand.u32 $0xFFFF0000, v7;
	v12 =	vsub.f32 $1.000000000e+00, v12;
	v13 =	vld.idx.msk [tilespmem:v6+s25+$0x0], $0xffff;
	v15 =	vshll.u32 v10, $0x10  }
0x96: {  	v6 =	vld.idx.msk [tilespmem:v6+s23+$0x0], $0xffff;
	v10 =	vand.u32 $0xFFFF0000, v10;
	v7 =	vmul.f32 v7, v8;
	v8 =	vmov s11  }
0x97: {  	v16 =	vld.idx.msk [tilespmem:v5+s25+$0x0], $0xffff;
	v15 =	vsub.f32 $1.000000000e+00, v15;
	v10 =	vsub.f32 $1.000000000e+00, v10;
	v8 =	vshll.u32 v8, $0x3  }
0x98: {  	v17 =	vshll.u32 v9, $0x10;
	v9 =	vand.u32 $0xFFFF0000, v9;
	v5 =	vld.idx.msk [tilespmem:v5+s23+$0x0], $0xffff;
	v8 =	vor.u32 v0, v8  }
0x99: {  	v15 =	vmul.f32 v17, v15;
	v9 =	vmul.f32 v9, v10;
	v10 =	vor.u32 v1, v11  }
0x9a: {  	v7 =	vadd.f32 v7, v4;
	v17 =	vor.u32 v1, v8;
	v8 =	vshll.u32 v13, $0x10  }
0x9b: {  	v11 =	vand.u32 $0xFFFF0000, v13;
	v18 =	vand.u32 $0xFFFF0000, v6;
	v13 =	vadd.f32 v9, v4  }
0x9c: {  	v11 =	vsub.f32 $1.000000000e+00, v11;
	v9 =	vshll.u32 v16, $0x10;
	v16 =	vand.u32 $0xFFFF0000, v16  }
0x9d: {  	s29 =	simm.s32 $0xA;
	v19 =	vshll.u32 v5, $0x10;
	v9 =	vsub.f32 $1.000000000e+00, v9;
	v16 =	vsub.f32 $1.000000000e+00, v16  }
0x9e: {  	v5 =	vand.u32 $0xFFFF0000, v5;
	v11 =	vmul.f32 v18, v11;
	v18 =	vmov s29  }
0x9f: {  	s1 =	simm.s32 $0x8;
	v9 =	vmul.f32 v19, v9;
	v5 =	vmul.f32 v5, v16;
	v16 =	vshll.u32 v18, $0x3  }
0xa0: {  	v18 =	vld.idx.msk [tilespmem:v10+s25+$0x0], $0xffff;
	v19 =	vsub.f32 $1.000000000e+00, v8;
	v59 =	vadd.f32 v11, v4;
	v11 =	vmov s1  }
0xa1: {  	v6 =	vshll.u32 v6, $0x10;
	v20 =	vld.idx.msk [tilespmem:v17+s25+$0x0], $0xffff;
	v8 =	vadd.f32 v9, v4;
	v9 =	vshll.u32 v11, $0x3  }
0xa2: {  	v11 =	vor.u32 v0, v16;
	v16 =	vld.idx.msk [tilespmem:v10+s23+$0x0], $0xffff;
	v6 =	vmul.f32 v6, v19;
	v10 =	vor.u32 v0, v9  }
0xa3: {  	s6 =	simm.s32 $0x16;
	v9 =	vadd.f32 v5, v4;
	v19 =	vor.u32 v1, v11;
	v11 =	vadd.f32 v15, v4  }
0xa4: {  	v5 =	vmul.f32 v14, v12;
	v12 =	vmov s6;
	v21 =	vor.u32 v1, v10  }
0xa5: {  	v10 =	vadd.f32 v6, v4;
	v6 =	vld.idx.msk [tilespmem:v17+s23+$0x0], $0xffff;
	v17 =	vshll.u32 v12, $0x3;
	v14 =	vshll.u32 v18, $0x10  }
0xa6: {  	v15 =	vand.u32 $0xFFFF0000, v18;
	v22 =	vor.u32 v0, v17;
	v17 =	vshll.u32 v20, $0x10  }
0xa7: {  	v18 =	vand.u32 $0xFFFF0000, v20;
	v12 =	vsub.f32 $1.000000000e+00, v14;
	v15 =	vsub.f32 $1.000000000e+00, v15  }
0xa8: {  	s11 =	simm.s32 $0x14;
	v61 =	vsub.f32 $1.000000000e+00, v18;
	v14 =	vshll.u32 v16, $0x10;
	v16 =	vand.u32 $0xFFFF0000, v16;
	v23 =	vld.idx.msk [tilespmem:v19+s25+$0x0], $0xffff  }
0xa9: {  	v20 =	vmul.f32 v16, v15;
	v15 =	vmov s11;
	v16 =	vsub.f32 $1.000000000e+00, v17;
	v60 =	vld.idx.msk [tilespmem:v21+s25+$0x0], $0xffff  }
0xaa: {  	v17 =	vld.idx.msk [tilespmem:v19+s23+$0x0], $0xffff;
	v15 =	vshll.u32 v15, $0x3;
	v18 =	vshll.u32 v6, $0x10;
	v6 =	vand.u32 $0xFFFF0000, v6  }
0xab: {  	v19 =	vld.idx.msk [tilespmem:v21+s23+$0x0], $0xffff;
	v15 =	vor.u32 v0, v15;
	v18 =	vmul.f32 v18, v16;
	v21 =	vmul.f32 v6, v61  }
0xac: {  	v16 =	vor.u32 v1, v22;
	v6 =	vadd.f32 v20, v7;
	v15 =	vor.u32 v1, v15  }
0xad: {  	v7 =	vadd.f32 v21, v13;
	v22 =	vshll.u32 v23, $0x10;
	v20 =	vand.u32 $0xFFFF0000, v23  }
0xae: {  	v13 =	vshll.u32 v60, $0x10;
	v21 =	vand.u32 $0xFFFF0000, v60;
	v20 =	vsub.f32 $1.000000000e+00, v20  }
0xaf: {  	v23 =	vand.u32 $0xFFFF0000, v17;
	v13 =	vsub.f32 $1.000000000e+00, v13;
	v21 =	vsub.f32 $1.000000000e+00, v21  }
0xb0: {  	s29 =	simm.s32 $0x12;
	v62 =	vshll.u32 v19, $0x10;
	v19 =	vand.u32 $0xFFFF0000, v19;
	v63 =	vmul.f32 v23, v20  }
0xb1: {  	v23 =	vmov s29;
	v20 =	vmul.f32 v62, v13;
	v21 =	vmul.f32 v19, v21  }
0xb2: {  	s0 =	simm.s32 $0x1E;
	s1 =	simm.s32 $0x10;
	v22 =	vsub.f32 $1.000000000e+00, v22;
	v23 =	vshll.u32 v23, $0x3;
	v19 =	vld.idx.msk [tilespmem:v16+s25+$0x0], $0xffff;
	v13 =	vadd.f32 v63, v59  }
.LBB2_5:
0xb3: {  	p1 =	sne.s32 s0, $0x4FE;
	v24 =	vmov s1;
	v8 =	vadd.f32 v20, v8;
	v9 =	vadd.f32 v21, v9  }
0xb4: {  	v21 =	vor.u32 v0, v23;
	v17 =	vshll.u32 v17, $0x10;
	v20 =	vshll.u32 v24, $0x3;
	v16 =	vld.idx.msk [tilespmem:v16+s23+$0x0], $0xffff  }
0xb5: {  	v21 =	vor.u32 v1, v21;
	v17 =	vmul.f32 v17, v22;
	v20 =	vor.u32 v0, v20;
	v23 =	vld.idx.msk [tilespmem:v15+s25+$0x0], $0xffff  }
0xb6: {  	v11 =	vadd.f32 v18, v11;
	v12 =	vmul.f32 v14, v12;
	v20 =	vor.u32 v1, v20  }
0xb7: {  	v4 =	vadd.f32 v5, v4;
	v10 =	vadd.f32 v17, v10;
	v15 =	vld.idx.msk [tilespmem:v15+s23+$0x0], $0xffff  }
0xb8: {  	v14 =	vmov s0;
	v5 =	vmovc v12;
	v17 =	vshll.u32 v19, $0x10;
	v18 =	vand.u32 $0xFFFF0000, v19  }
0xb9: {  	v14 =	vshll.u32 v14, $0x3;
	v12 =	vsub.f32 $1.000000000e+00, v17;
	v17 =	vsub.f32 $1.000000000e+00, v18  }
0xba: {  	v19 =	vor.u32 v0, v14;
	v14 =	vshll.u32 v16, $0x10;
	v16 =	vand.u32 $0xFFFF0000, v16;
	v22 =	vld.idx.msk [tilespmem:v21+s25+$0x0], $0xffff  }
0xbb: {  	s1 =	sadd.s32 $0xFFFFFFFE, s0;
	v18 =	vshll.u32 v23, $0x10;
	v23 =	vand.u32 $0xFFFF0000, v23;
	v25 =	vmul.f32 v16, v17;
	v24 =	vld.idx.msk [tilespmem:v20+s25+$0x0], $0xffff  }
0xbc: {  	v16 =	vmov s1;
	v18 =	vsub.f32 $1.000000000e+00, v18;
	v17 =	vld.idx.msk [tilespmem:v21+s23+$0x0], $0xffff;
	v21 =	vsub.f32 $1.000000000e+00, v23  }
0xbd: {  	v16 =	vshll.u32 v16, $0x3;
	v23 =	vshll.u32 v15, $0x10;
	v15 =	vand.u32 $0xFFFF0000, v15;
	v20 =	vld.idx.msk [tilespmem:v20+s23+$0x0], $0xffff  }
0xbe: {  	v16 =	vor.u32 v0, v16;
	v18 =	vmul.f32 v23, v18;
	v21 =	vmul.f32 v15, v21  }
0xbf: {  	v6 =	vadd.f32 v25, v6;
	v15 =	vor.u32 v1, v16;
	v16 =	vor.u32 v1, v19  }
0xc0: {  	v25 =	vshll.u32 v22, $0x10;
	v19 =	vand.u32 $0xFFFF0000, v22;
	v7 =	vadd.f32 v21, v7  }
.Ltmp3:
0xc1: {  	v21 =	vshll.u32 v24, $0x10;
	v22 =	vand.u32 $0xFFFF0000, v24;
	v19 =	vsub.f32 $1.000000000e+00, v19;
	(pc) =	sbr.rel @p1 .LBB2_5-.Ltmp3, $4  }
0xc2: {  	v21 =	vsub.f32 $1.000000000e+00, v21;
	v22 =	vsub.f32 $1.000000000e+00, v22;
	v23 =	vand.u32 $0xFFFF0000, v17  }
0xc3: {  	s1 =	sadd.s32 $0xFFFFFFFC, s0;
	v24 =	vshll.u32 v20, $0x10;
	v26 =	vand.u32 $0xFFFF0000, v20;
	v27 =	vmul.f32 v23, v19  }
0xc4: {  	v19 =	vmov s1;
	v20 =	vmul.f32 v24, v21;
	v21 =	vmul.f32 v26, v22  }
0xc5: {  	s1 =	sadd.s32 $0xFFFFFFFA, s0;
	s0 =	sadd.s32 $0x8, s0;
	v23 =	vshll.u32 v19, $0x3;
	v22 =	vsub.f32 $1.000000000e+00, v25;
	v13 =	vadd.f32 v27, v13;
	v19 =	vld.idx.msk [tilespmem:v16+s25+$0x0], $0xffff  }
0xc6: {  	v24 =	vmov s1  }
0xc7: {  	v24 =	vshll.u32 v24, $0x3  }
0xc8: {  	v24 =	vor.u32 v0, v24  }
0xc9: {  	v23 =	vor.u32 v0, v23;
	v24 =	vor.u32 v1, v24  }
0xca: {  	v23 =	vor.u32 v1, v23;
	_ =	sdelay $0x3  }
0xcb: {  	v25 =	vld.idx.msk [tilespmem:v24+s25+$0x0], $0xffff  }
0xcc: {  	v26 =	vld.idx.msk [tilespmem:v23+s25+$0x0], $0xffff  }
0xcd: {  	v17 =	vshll.u32 v17, $0x10;
	v24 =	vld.idx.msk [tilespmem:v24+s23+$0x0], $0xffff  }
0xce: {  	v8 =	vadd.f32 v20, v8;
	v9 =	vadd.f32 v21, v9;
	v44 =	vld.idx.msk [tilespmem:v15+s25+$0x0], $0xffff;
	v17 =	vmul.f32 v17, v22  }
0xcf: {  	v11 =	vadd.f32 v18, v11;
	v12 =	vmul.f32 v14, v12;
	v4 =	vadd.f32 v5, v4;
	v45 =	vld.idx.msk [tilespmem:v23+s23+$0x0], $0xffff  }
0xd0: {  	v10 =	vadd.f32 v17, v10;
	v46 =	vshll.u32 v25, $0x10;
	v47 =	vand.u32 $0xFFFF0000, v25  }
0xd1: {  	v50 =	vshll.u32 v26, $0x10;
	v18 =	vsub.f32 $1.000000000e+00, v46;
	v17 =	vsub.f32 $1.000000000e+00, v47  }
0xd2: {  	v54 =	vand.u32 $0xFFFF0000, v26;
	v49 =	vshll.u32 v24, $0x10;
	v51 =	vand.u32 $0xFFFF0000, v24  }
0xd3: {  	v52 =	vld.idx.msk [tilespmem:v15+s23+$0x0], $0xffff;
	v22 =	vsub.f32 $1.000000000e+00, v50;
	v18 =	vmul.f32 v49, v18;
	v17 =	vmul.f32 v51, v17  }
0xd4: {  	v53 =	vshll.u32 v44, $0x10;
	v55 =	vshll.u32 v45, $0x10;
	v24 =	vsub.f32 $1.000000000e+00, v54  }
0xd5: {  	v56 =	vmul.f32 v55, v22;
	v8 =	vadd.f32 v18, v8;
	v9 =	vadd.f32 v17, v9  }
0xd6: {  	v57 =	vand.u32 $0xFFFF0000, v44;
	v58 =	vsub.f32 $1.000000000e+00, v53;
	v14 =	vand.u32 $0xFFFF0000, v45  }
0xd7: {  	v16 =	vld.idx.msk [tilespmem:v16+s23+$0x0], $0xffff;
	v14 =	vmul.f32 v14, v24;
	v10 =	vadd.f32 v56, v10;
	v8 =	vadd.f32 v9, v8  }
0xd8: {  	v48 =	vshll.u32 v19, $0x10;
	v60 =	vshll.u32 v52, $0x10;
	v59 =	vsub.f32 $1.000000000e+00, v57  }
0xd9: {  	v13 =	vadd.f32 v14, v13;
	v17 =	vmul.f32 v60, v58;
	v8 =	vadd.f32 v10, v8  }
0xda: {  	v61 =	vand.u32 $0xFFFF0000, v19;
	v15 =	vand.u32 $0xFFFF0000, v52;
	v5 =	vsub.f32 $1.000000000e+00, v48  }
0xdb: {  	v9 =	vmul.f32 v15, v59;
	v11 =	vadd.f32 v17, v11;
	v8 =	vadd.f32 v13, v8  }
0xdc: {  	v4 =	vadd.f32 v12, v4;
	v62 =	vshll.u32 v16, $0x10;
	v10 =	vsub.f32 $1.000000000e+00, v61  }
0xdd: {  	v5 =	vmul.f32 v62, v5;
	v7 =	vadd.f32 v9, v7;
	v8 =	vadd.f32 v11, v8  }
0xde: {  	v63 =	vand.u32 $0xFFFF0000, v16  }
0xdf: {  	s31 =	sadd.s32 $0x1, s31;
	v4 =	vadd.f32 v5, v4;
	v9 =	vmul.f32 v63, v10;
	v5 =	vadd.f32 v7, v8  }
0xe0: {  	p1 =	sne.s32 s31, $0x27  }
.Ltmp4:
0xe1: {  	v6 =	vadd.f32 v9, v6;
	v4 =	vadd.f32 v4, v5;
	(pc) =	sbr.rel @p1 .LBB2_2-.Ltmp4, $3  }
0xe2: {  	_ = 	snop  }
0xe3: {  	v4 =	vadd.f32 v6, v4;
	_ =	sdelay $0x1  }
0xe4: {  	v3 =	vadd.f32 v4, v3  }
.Ltmp5:
0xe5: {  	(pc) =	sbr.rel @p0 .LBB2_11-.Ltmp5, $2  }
0xe6: {  	_ =	sdelay $0x2  }
0xe7: {  	[tilespmem:$0xB400] =	vst v3  }
0xe8: {  	s0 =	rddreg [dreg:$0x5]  }
0xe9: {  	[tilespmem:s3], [sflag:$0x3] =	stream.strided.gather [hbm4b:s0+s14], $0xA00, s15, s14, $0x38;
	[tilespmem:$0x17760] =	vst v63  }
0xea: {  	_ =	swait.ge [sflag:s19], $0xA00  }
0xeb: {  	[sflag:s19] =	ssyncset.done $0x0  }
0xec: {  	s31 =	simm.s32 $0x6;
	[sflag:s19] =	ssyncadd.s32 $0xFFFFF600  }
0xed: {  	[tilespmem:s20], [sflag:$0x1] =	stream.indirect.gather [spmem:s2], $0x8, s3, s14, $0xb8;
	[tilespmem:$0x17760] =	vst v63  }
0xee: {  	s1 =	simm.s32 $0x4;
	v2 =	vmov s31  }
0xef: {  	v2 =	vshll.u32 v2, $0x3;
	[tilespmem:s21], [sflag:$0x1] =	stream.indirect.gather [spmem:s2], $0x8, s14, s14, $0xb8;
	[tilespmem:$0x17760] =	vst v63  }
0xf0: {  	v3 =	vmov s1;
	v2 =	vor.u32 v0, v2;
	_ =	swait.ge [sflag:s26], $0x2800  }
0xf1: {  	v3 =	vshll.u32 v3, $0x3;
	v2 =	vor.u32 v1, v2;
	[sflag:s26] =	ssyncset.done $0x0  }
0xf2: {  	v3 =	vor.u32 v0, v3;
	[sflag:s26] =	ssyncadd.s32 $0xFFFFD800  }
0xf3: {  	v3 =	vor.u32 v1, v3;
	_ =	swait.ge [sflag:s26], $0x2800  }
0xf4: {  	[sflag:s26] =	ssyncset.done $0x0  }
0xf5: {  	s6 =	simm.s32 $0x2;
	s11 =	simm.s32 $0x0;
	[sflag:s26] =	ssyncadd.s32 $0xFFFFD800  }
0xf6: {  	v4 =	vmov s6;
	v6 =	vmov s11;
	v5 =	vld.idx.msk [tilespmem:v2+s21+$0x0], $0xffff  }
0xf7: {  	v4 =	vshll.u32 v4, $0x3;
	v6 =	vshll.u32 v6, $0x3;
	v7 =	vld.idx.msk [tilespmem:v2+s20+$0x0], $0xffff  }
0xf8: {  	v4 =	vor.u32 v0, v4;
	v2 =	vor.u32 v0, v6;
	v6 =	vld.idx.msk [tilespmem:v3+s21+$0x0], $0xffff  }
0xf9: {  	s29 =	simm.s32 $0xE;
	v4 =	vor.u32 v1, v4  }
0xfa: {  	v9 =	vmov s29;
	v3 =	vld.idx.msk [tilespmem:v3+s20+$0x0], $0xffff;
	v8 =	vor.u32 v1, v2  }
0xfb: {  	v9 =	vshll.u32 v9, $0x3  }
0xfc: {  	v9 =	vor.u32 v0, v9;
	v10 =	vshll.u32 v5, $0x10;
	v5 =	vand.u32 $0xFFFF0000, v5  }
0xfd: {  	v12 =	vshll.u32 v7, $0x10;
	v7 =	vand.u32 $0xFFFF0000, v7;
	v13 =	vshll.u32 v6, $0x10  }
0xfe: {  	v6 =	vand.u32 $0xFFFF0000, v6;
	v11 =	vsub.f32 $1.000000000e+00, v10;
	v5 =	vsub.f32 $1.000000000e+00, v5;
	v10 =	vld.idx.msk [tilespmem:v4+s21+$0x0], $0xffff  }
0xff: {  	s31 =	simm.s32 $0xC;
	v15 =	vshll.u32 v3, $0x10;
	v3 =	vand.u32 $0xFFFF0000, v3;
	v14 =	vld.idx.msk [tilespmem:v8+s21+$0x0], $0xffff;
	v6 =	vsub.f32 $1.000000000e+00, v6  }
0x100: {  	v4 =	vld.idx.msk [tilespmem:v4+s20+$0x0], $0xffff;
	v13 =	vsub.f32 $1.000000000e+00, v13;
	v5 =	vmul.f32 v7, v5;
	v7 =	vmov s31  }
0x101: {  	v9 =	vor.u32 v1, v9;
	v8 =	vld.idx.msk [tilespmem:v8+s20+$0x0], $0xffff;
	v3 =	vmul.f32 v3, v6;
	v7 =	vshll.u32 v7, $0x3  }
0x102: {  	v2 =	vimm.f32 $0.0e+00;
	v13 =	vmul.f32 v15, v13;
	v7 =	vor.u32 v0, v7  }
0x103: {  	v5 =	vadd.f32 v5, v2;
	v18 =	vadd.f32 v3, v2;
	v6 =	vor.u32 v1, v7  }
0x104: {  	v7 =	vshll.u32 v10, $0x10;
	v10 =	vand.u32 $0xFFFF0000, v10;
	v3 =	vshll.u32 v14, $0x10  }
0x105: {  	v14 =	vand.u32 $0xFFFF0000, v14;
	v15 =	vand.u32 $0xFFFF0000, v4;
	v10 =	vsub.f32 $1.000000000e+00, v10  }
0x106: {  	v16 =	vshll.u32 v8, $0x10;
	v8 =	vand.u32 $0xFFFF0000, v8;
	v3 =	vsub.f32 $1.000000000e+00, v3  }
0x107: {  	s1 =	simm.s32 $0xA;
	v4 =	vshll.u32 v4, $0x10;
	v14 =	vsub.f32 $1.000000000e+00, v14;
	v10 =	vmul.f32 v15, v10  }
0x108: {  	v15 =	vmov s1;
	v3 =	vmul.f32 v16, v3;
	v16 =	vsub.f32 $1.000000000e+00, v7  }
0x109: {  	s6 =	simm.s32 $0x8;
	v8 =	vmul.f32 v8, v14;
	v14 =	vshll.u32 v15, $0x3;
	v15 =	vld.idx.msk [tilespmem:v9+s21+$0x0], $0xffff;
	v23 =	vadd.f32 v10, v2  }
0x10a: {  	v10 =	vmov s6;
	v7 =	vadd.f32 v3, v2;
	v4 =	vmul.f32 v4, v16  }
0x10b: {  	v8 =	vadd.f32 v8, v2;
	v17 =	vld.idx.msk [tilespmem:v6+s21+$0x0], $0xffff;
	v3 =	vshll.u32 v10, $0x3;
	v10 =	vor.u32 v0, v14  }
0x10c: {  	s11 =	simm.s32 $0x16;
	v14 =	vld.idx.msk [tilespmem:v9+s20+$0x0], $0xffff;
	v3 =	vor.u32 v0, v3;
	v16 =	vor.u32 v1, v10;
	v10 =	vadd.f32 v13, v2  }
0x10d: {  	v9 =	vadd.f32 v4, v2;
	v4 =	vld.idx.msk [tilespmem:v6+s20+$0x0], $0xffff;
	v6 =	vmov s11;
	v19 =	vor.u32 v1, v3  }
0x10e: {  	v3 =	vmul.f32 v12, v11;
	v6 =	vshll.u32 v6, $0x3;
	v11 =	vshll.u32 v15, $0x10  }
0x10f: {  	v12 =	vand.u32 $0xFFFF0000, v15;
	v6 =	vor.u32 v0, v6;
	v11 =	vsub.f32 $1.000000000e+00, v11  }
0x110: {  	v12 =	vsub.f32 $1.000000000e+00, v12;
	v15 =	vshll.u32 v17, $0x10;
	v17 =	vand.u32 $0xFFFF0000, v17  }
0x111: {  	s29 =	simm.s32 $0x14;
	v13 =	vshll.u32 v14, $0x10;
	v14 =	vand.u32 $0xFFFF0000, v14;
	v15 =	vsub.f32 $1.000000000e+00, v15;
	v20 =	vld.idx.msk [tilespmem:v16+s21+$0x0], $0xffff  }
0x112: {  	v22 =	vsub.f32 $1.000000000e+00, v17;
	v12 =	vmul.f32 v14, v12;
	v14 =	vmov s29;
	v21 =	vld.idx.msk [tilespmem:v19+s21+$0x0], $0xffff  }
0x113: {  	v16 =	vld.idx.msk [tilespmem:v16+s20+$0x0], $0xffff;
	v17 =	vshll.u32 v4, $0x10;
	v4 =	vand.u32 $0xFFFF0000, v4;
	v14 =	vshll.u32 v14, $0x3  }
0x114: {  	v19 =	vld.idx.msk [tilespmem:v19+s20+$0x0], $0xffff;
	v17 =	vmul.f32 v17, v15;
	v22 =	vmul.f32 v4, v22;
	v14 =	vor.u32 v0, v14  }
0x115: {  	v15 =	vor.u32 v1, v6;
	v4 =	vadd.f32 v12, v5;
	v14 =	vor.u32 v1, v14  }
0x116: {  	v6 =	vadd.f32 v22, v18;
	v12 =	vshll.u32 v20, $0x10;
	v5 =	vand.u32 $0xFFFF0000, v20  }
0x117: {  	v18 =	vshll.u32 v21, $0x10;
	v20 =	vand.u32 $0xFFFF0000, v21;
	v5 =	vsub.f32 $1.000000000e+00, v5  }
0x118: {  	v21 =	vand.u32 $0xFFFF0000, v16;
	v18 =	vsub.f32 $1.000000000e+00, v18;
	v20 =	vsub.f32 $1.000000000e+00, v20  }
0x119: {  	s31 =	simm.s32 $0x12;
	v22 =	vshll.u32 v19, $0x10;
	v24 =	vand.u32 $0xFFFF0000, v19;
	v25 =	vmul.f32 v21, v5  }
0x11a: {  	v5 =	vld [tilespmem:$0xB400];
	v21 =	vmov s31;
	v19 =	vmul.f32 v22, v18;
	v20 =	vmul.f32 v24, v20  }
0x11b: {  	s0 =	simm.s32 $0x1E;
	s1 =	simm.s32 $0x10;
	v22 =	vshll.u32 v21, $0x3;
	v18 =	vld.idx.msk [tilespmem:v15+s21+$0x0], $0xffff;
	v21 =	vsub.f32 $1.000000000e+00, v12;
	v12 =	vadd.f32 v25, v23  }
.LBB2_9:
0x11c: {  	p1 =	sne.s32 s0, $0x4FE;
	v23 =	vmov s1;
	v7 =	vadd.f32 v19, v7;
	v8 =	vadd.f32 v20, v8  }
0x11d: {  	v20 =	vor.u32 v0, v22;
	v16 =	vshll.u32 v16, $0x10;
	v19 =	vshll.u32 v23, $0x3;
	v15 =	vld.idx.msk [tilespmem:v15+s20+$0x0], $0xffff  }
0x11e: {  	v20 =	vor.u32 v1, v20;
	v16 =	vmul.f32 v16, v21;
	v19 =	vor.u32 v0, v19;
	v22 =	vld.idx.msk [tilespmem:v14+s21+$0x0], $0xffff  }
0x11f: {  	v10 =	vadd.f32 v17, v10;
	v11 =	vmul.f32 v13, v11;
	v19 =	vor.u32 v1, v19  }
0x120: {  	v2 =	vadd.f32 v3, v2;
	v9 =	vadd.f32 v16, v9;
	v14 =	vld.idx.msk [tilespmem:v14+s20+$0x0], $0xffff  }
0x121: {  	v13 =	vmov s0;
	v3 =	vmovc v11;
	v16 =	vshll.u32 v18, $0x10;
	v17 =	vand.u32 $0xFFFF0000, v18  }
0x122: {  	v13 =	vshll.u32 v13, $0x3;
	v11 =	vsub.f32 $1.000000000e+00, v16;
	v16 =	vsub.f32 $1.000000000e+00, v17  }
0x123: {  	v18 =	vor.u32 v0, v13;
	v13 =	vshll.u32 v15, $0x10;
	v15 =	vand.u32 $0xFFFF0000, v15;
	v21 =	vld.idx.msk [tilespmem:v20+s21+$0x0], $0xffff  }
0x124: {  	s1 =	sadd.s32 $0xFFFFFFFE, s0;
	v17 =	vshll.u32 v22, $0x10;
	v22 =	vand.u32 $0xFFFF0000, v22;
	v24 =	vmul.f32 v15, v16;
	v23 =	vld.idx.msk [tilespmem:v19+s21+$0x0], $0xffff  }
0x125: {  	v15 =	vmov s1;
	v17 =	vsub.f32 $1.000000000e+00, v17;
	v16 =	vld.idx.msk [tilespmem:v20+s20+$0x0], $0xffff;
	v20 =	vsub.f32 $1.000000000e+00, v22  }
0x126: {  	v15 =	vshll.u32 v15, $0x3;
	v22 =	vshll.u32 v14, $0x10;
	v14 =	vand.u32 $0xFFFF0000, v14;
	v19 =	vld.idx.msk [tilespmem:v19+s20+$0x0], $0xffff  }
0x127: {  	v15 =	vor.u32 v0, v15;
	v17 =	vmul.f32 v22, v17;
	v20 =	vmul.f32 v14, v20  }
0x128: {  	v4 =	vadd.f32 v24, v4;
	v14 =	vor.u32 v1, v15;
	v15 =	vor.u32 v1, v18  }
0x129: {  	v24 =	vshll.u32 v21, $0x10;
	v18 =	vand.u32 $0xFFFF0000, v21;
	v6 =	vadd.f32 v20, v6  }
.Ltmp6:
0x12a: {  	v20 =	vshll.u32 v23, $0x10;
	v21 =	vand.u32 $0xFFFF0000, v23;
	v18 =	vsub.f32 $1.000000000e+00, v18;
	(pc) =	sbr.rel @p1 .LBB2_9-.Ltmp6, $4  }
0x12b: {  	v20 =	vsub.f32 $1.000000000e+00, v20;
	v21 =	vsub.f32 $1.000000000e+00, v21;
	v22 =	vand.u32 $0xFFFF0000, v16  }
0x12c: {  	s1 =	sadd.s32 $0xFFFFFFFC, s0;
	v23 =	vshll.u32 v19, $0x10;
	v25 =	vand.u32 $0xFFFF0000, v19;
	v26 =	vmul.f32 v22, v18  }
0x12d: {  	v18 =	vmov s1;
	v19 =	vmul.f32 v23, v20;
	v20 =	vmul.f32 v25, v21  }
0x12e: {  	s1 =	sadd.s32 $0xFFFFFFFA, s0;
	s0 =	sadd.s32 $0x8, s0;
	v22 =	vshll.u32 v18, $0x3;
	v21 =	vsub.f32 $1.000000000e+00, v24;
	v12 =	vadd.f32 v26, v12;
	v18 =	vld.idx.msk [tilespmem:v15+s21+$0x0], $0xffff  }
0x12f: {  	v23 =	vmov s1  }
0x130: {  	v23 =	vshll.u32 v23, $0x3  }
0x131: {  	v23 =	vor.u32 v0, v23  }
0x132: {  	v22 =	vor.u32 v0, v22;
	v23 =	vor.u32 v1, v23  }
0x133: {  	v22 =	vor.u32 v1, v22;
	_ =	sdelay $0x3  }
0x134: {  	v24 =	vld.idx.msk [tilespmem:v23+s21+$0x0], $0xffff  }
0x135: {  	v25 =	vld.idx.msk [tilespmem:v22+s21+$0x0], $0xffff  }
0x136: {  	v16 =	vshll.u32 v16, $0x10;
	v23 =	vld.idx.msk [tilespmem:v23+s20+$0x0], $0xffff  }
0x137: {  	v7 =	vadd.f32 v19, v7;
	v8 =	vadd.f32 v20, v8;
	v44 =	vld.idx.msk [tilespmem:v14+s21+$0x0], $0xffff;
	v16 =	vmul.f32 v16, v21  }
0x138: {  	v10 =	vadd.f32 v17, v10;
	v11 =	vmul.f32 v13, v11;
	v2 =	vadd.f32 v3, v2;
	v45 =	vld.idx.msk [tilespmem:v22+s20+$0x0], $0xffff  }
0x139: {  	v9 =	vadd.f32 v16, v9;
	v46 =	vshll.u32 v24, $0x10;
	v47 =	vand.u32 $0xFFFF0000, v24  }
0x13a: {  	v50 =	vshll.u32 v25, $0x10;
	v17 =	vsub.f32 $1.000000000e+00, v46;
	v16 =	vsub.f32 $1.000000000e+00, v47  }
0x13b: {  	v54 =	vand.u32 $0xFFFF0000, v25;
	v49 =	vshll.u32 v23, $0x10;
	v51 =	vand.u32 $0xFFFF0000, v23  }
0x13c: {  	v52 =	vld.idx.msk [tilespmem:v14+s20+$0x0], $0xffff;
	v21 =	vsub.f32 $1.000000000e+00, v50;
	v17 =	vmul.f32 v49, v17;
	v16 =	vmul.f32 v51, v16  }
0x13d: {  	v53 =	vshll.u32 v44, $0x10;
	v55 =	vshll.u32 v45, $0x10;
	v23 =	vsub.f32 $1.000000000e+00, v54  }
0x13e: {  	v56 =	vmul.f32 v55, v21;
	v7 =	vadd.f32 v17, v7;
	v8 =	vadd.f32 v16, v8  }
0x13f: {  	v57 =	vand.u32 $0xFFFF0000, v44;
	v58 =	vsub.f32 $1.000000000e+00, v53;
	v13 =	vand.u32 $0xFFFF0000, v45  }
0x140: {  	v15 =	vld.idx.msk [tilespmem:v15+s20+$0x0], $0xffff;
	v13 =	vmul.f32 v13, v23;
	v9 =	vadd.f32 v56, v9;
	v7 =	vadd.f32 v8, v7  }
0x141: {  	v48 =	vshll.u32 v18, $0x10;
	v60 =	vshll.u32 v52, $0x10;
	v59 =	vsub.f32 $1.000000000e+00, v57  }
0x142: {  	v12 =	vadd.f32 v13, v12;
	v16 =	vmul.f32 v60, v58;
	v7 =	vadd.f32 v9, v7  }
0x143: {  	v61 =	vand.u32 $0xFFFF0000, v18;
	v14 =	vand.u32 $0xFFFF0000, v52;
	v3 =	vsub.f32 $1.000000000e+00, v48  }
0x144: {  	v8 =	vmul.f32 v14, v59;
	v10 =	vadd.f32 v16, v10;
	v7 =	vadd.f32 v12, v7  }
0x145: {  	v2 =	vadd.f32 v11, v2;
	v62 =	vshll.u32 v15, $0x10;
	v9 =	vsub.f32 $1.000000000e+00, v61  }
0x146: {  	v3 =	vmul.f32 v62, v3;
	v6 =	vadd.f32 v8, v6;
	v7 =	vadd.f32 v10, v7  }
0x147: {  	v63 =	vand.u32 $0xFFFF0000, v15  }
0x148: {  	v2 =	vadd.f32 v3, v2;
	v8 =	vmul.f32 v63, v9;
	v3 =	vadd.f32 v6, v7;
	_ =	sdelay $0x1  }
0x149: {  	v4 =	vadd.f32 v8, v4;
	v2 =	vadd.f32 v2, v3;
	_ =	sdelay $0x1  }
0x14a: {  	v2 =	vadd.f32 v4, v2;
	_ =	sdelay $0x1  }
.Ltmp7:
0x14b: {  	v2 =	vadd.f32 $0.0e+00, v2;
	(pc) =	sbr.rel .LBB2_11-.Ltmp7, $3  }
0x14c: {  	_ = 	snop  }
0x14d: {  	v2 =	vadd.f32 v2, v5;
	_ =	sdelay $0x1  }
0x14e: {  	[tilespmem:$0xB400] =	vst v2  }
.LBB2_12:
0x14f: {  	_ =	sfence.sel $0x180000  }
0x150: {  	[bflag:$0x0] =	sbarrier.arrive $0xFFFF  }
0x151: {  	_ =	strace $0x90000047  }
0x152: {  	s0 =	stileid.u32;
	[bflag:$0x2] =	sbarrier.arrive $0xFFFF  }
0x153: {  	p0 =	sne.s32 s0, $0x0;
	s0 =	rddreg [dreg:$0x3]  }
0x154: {  	s0 =	sadd.s32 @!p0 $0x100000, s0  }
0x155: {  	[sflag:s0] =	ssyncadd.tile.s32 @!p0 $0x1;
	_ =	shalt  }
.Lfunc_end2:
_tile_overlayer_lowered:
.L_overlay_start_2:
0x156: {  	(tag) =	ssettag $0x2  }
0x157: {  	s0 =	rddreg [dreg:$0x0];
	s2 =	stileid.u32  }
0x158: {  	s1 =	rddreg [dreg:$0x1];
	p0 =	sne.s32 s2, $0x0  }
0x159: {  	s3 =	rddreg [dreg:$0x2];
	[bflag:$0x3] =	sbarrier.arrive $0xFFFF;
	s2 =	simm.s32 @!p0 $0x1C05  }
0x15a: {  	[timem:s3], [sflag:s2] =	dma.local @!p0 [hbm:s0], s1  }
0x15b: {  	s0 =	simm.s32 @!p0 $0x5  }
0x15c: {  	_ =	swait.ge @!p0 [sflag:s0], s1  }
0x15d: {  	s1 =	ssub.s32 @!p0 $0x0, s1;
	[sflag:s0] =	ssyncset.done @!p0 $0x0  }
0x15e: {  	[sflag:s0] =	ssyncadd.s32 @!p0 s1  }
0x15f: {  	[bflag:$0x3] =	sbarrier.arrive $0xFFFF  }
0x160: {  	_ =	shalt  }

</sc_bundles>
